<compile_context>
chip_gen: v7x
topology: tpu7x:2x2x1
jax: 0.10.2.dev20260603
libtpu: 0.0.44.dev20260713+nightly
codegen_flags: <defaults>
</compile_context>

<pallas_src>
import functools

import jax
import jax.numpy as jnp
from jax import lax
from jax.experimental import pallas as pl
from jax.experimental.pallas import tpu as pltpu
from jax.experimental.pallas import tpu_sc as plsc

N = 100000
NC = 2
NS = 16
NW = NC * NS

ROWS_FULL = 3136
ROWS_LAST = N - (NW - 1) * ROWS_FULL
ITERS_FULL = ROWS_FULL // 16
ITERS_LAST = ROWS_LAST // 16


def _sc_loss_kernel(lf_hbm, lab_hbm, w_hbm, out_hbm,
                    lvm, labvm, wvm, partvm, allvm, outvm, shared):
    c = lax.axis_index("c")
    s = lax.axis_index("s")
    wid = s * NC + c

    base_rows = wid * ROWS_FULL

    @pl.when(wid != NW - 1)
    def _():
        pltpu.sync_copy(lab_hbm.at[pl.ds(base_rows, ROWS_FULL)], labvm)
        pltpu.sync_copy(lf_hbm.at[pl.ds(2 * base_rows, 2 * ROWS_FULL)], lvm)

    @pl.when(wid == NW - 1)
    def _():
        pltpu.sync_copy(lab_hbm.at[pl.ds(base_rows, ROWS_LAST)],
                        labvm.at[pl.ds(0, ROWS_LAST)])
        pltpu.sync_copy(lf_hbm.at[pl.ds(2 * base_rows, 2 * ROWS_LAST)],
                        lvm.at[pl.ds(0, 2 * ROWS_LAST)])

    pltpu.sync_copy(w_hbm, wvm)

    iota = lax.iota(jnp.int32, 16)
    idx2 = iota * 2

    def body(i, carry):
        num, den = carry
        rowoff = i * 16
        lab = labvm[pl.ds(rowoff, 16)]
        idx0 = idx2 + rowoff * 2
        idx1 = idx0 + 1
        l0 = plsc.load_gather(lvm, [idx0])
        l1 = plsc.load_gather(lvm, [idx1])
        yf = lab.astype(jnp.float32)
        z = (2.0 * yf - 1.0) * (l0 - l1)
        a = jnp.abs(z)
        e = jnp.exp(-a)
        t = e / (e + 2.0)
        u = t * t
        l1p = t * (2.0 + u * (2.0 / 3.0 + u * (2.0 / 5.0 + u * (2.0 / 7.0))))
        nll = jnp.maximum(z, 0.0) + l1p
        wv = plsc.load_gather(wvm, [lab])
        return num + wv * nll, den + wv

    zero = jnp.zeros((16,), jnp.float32)
    nvec = jnp.where(wid == NW - 1, ITERS_LAST, ITERS_FULL)
    num, den = lax.fori_loop(0, nvec, body, (zero, zero))

    partvm[pl.ds(0, 16)] = num
    partvm[pl.ds(16, 16)] = den
    pltpu.sync_copy(partvm, shared.at[s])
    plsc.subcore_barrier()

    @pl.when(s == 0)
    def _():
        pltpu.sync_copy(shared, allvm)
        tn = jnp.zeros((16,), jnp.float32)
        td = jnp.zeros((16,), jnp.float32)
        for s2 in range(NS):
            tn = tn + allvm[s2, pl.ds(0, 16)]
            td = td + allvm[s2, pl.ds(16, 16)]
        num_s = jnp.sum(tn)
        den_s = jnp.sum(td)
        outvm[...] = jnp.where(iota == 0, num_s,
                               jnp.where(iota == 1, den_s, 0.0))
        pltpu.sync_copy(outvm, out_hbm.at[c])


@jax.jit
def _sc_loss(lf, lab, wpad):
    mesh = plsc.VectorSubcoreMesh(core_axis_name="c", subcore_axis_name="s")
    run = pl.kernel(
        _sc_loss_kernel,
        out_type=jax.ShapeDtypeStruct((NC, 16), jnp.float32),
        mesh=mesh,
        scratch_types=[
            pltpu.VMEM((2 * ROWS_FULL,), jnp.float32),
            pltpu.VMEM((ROWS_FULL,), jnp.int32),
            pltpu.VMEM((16,), jnp.float32),
            pltpu.VMEM((32,), jnp.float32),
            pltpu.VMEM((NS, 32), jnp.float32),
            pltpu.VMEM((16,), jnp.float32),
            pltpu.VMEM_SHARED((NS, 32), jnp.float32),
        ],
        compiler_params=pltpu.CompilerParams(needs_layout_passes=False),
    )
    return run(lf, lab, wpad)


def kernel(logits, labels, weight):
    lf = logits.reshape(-1)
    lab = labels.astype(jnp.int32)
    wpad = jnp.pad(weight.astype(jnp.float32), (0, 14))
    out = _sc_loss(lf, lab, wpad)
    num = out[0, 0] + out[1, 0]
    den = out[0, 1] + out[1, 1]
    return num / den

# --- scband reference (transcript-rebuilt; emitter-appended) ---
"""Pipeline reference for scband-improved-position-aware-loss-49735721288422 (READ-ONLY COPY).

The authoritative reference and input builder live on the scoring server;
editing this copy changes nothing except your own understanding.
"""

import jax, jax.numpy as jnp
import numpy as np

N = 100000
POS_WEIGHT = 7.0

def setup_inputs(seed: int = 0) -> dict:
    key = jax.random.key(seed)
    k1, k2 = jax.random.split(key)
    logits = jax.random.normal(k1, (N, 2), dtype=jnp.float32)
    labels = jax.random.randint(k2, (N,), 0, 2, dtype=jnp.int64)
    weight = jnp.array([1.0, POS_WEIGHT], dtype=jnp.float32)
    return {"logits": logits, "labels": labels, "weight": weight}

def reference(logits, labels, weight):
    # F.cross_entropy with class weights and reduction='mean':
    # loss = sum_i w[y_i] * nll_i / sum_i w[y_i]
    logp = jax.nn.log_softmax(logits, axis=1)
    nll = -jnp.take_along_axis(logp, labels[:, None], axis=1)[:, 0]
    w = jnp.take(weight, labels, axis=0)
    loss = jnp.sum(w * nll) / jnp.sum(w)
    # batch is None -> position loss branch skipped
    return loss

if __name__ == "__main__":
    import jax
    _d = setup_inputs()
    print(jax.jit(kernel)(*tuple(_d.values())))

</pallas_src>

<mosaic_0001>
#map = affine_map<(d0, d1) -> (0)>
#map1 = affine_map<(d0, d1) -> (0, 0)>
module attributes {stable_mosaic.version = 14 : i64} {
  func.func @_sc_loss_kernel(%arg0: i32, %arg1: i32, %arg2: memref<200000xf32, #tpu.memory_space<hbm>>, %arg3: memref<100000xi32, #tpu.memory_space<hbm>>, %arg4: memref<16xf32, #tpu.memory_space<hbm>>, %arg5: memref<2x16xf32, #tpu.memory_space<hbm>>, %arg6: memref<6272xf32, #tpu.memory_space<vmem>>, %arg7: memref<3136xi32, #tpu.memory_space<vmem>>, %arg8: memref<16xf32, #tpu.memory_space<vmem>>, %arg9: memref<32xf32, #tpu.memory_space<vmem>>, %arg10: memref<16x32xf32, #tpu.memory_space<vmem>>, %arg11: memref<16xf32, #tpu.memory_space<vmem>>, %arg12: memref<16x32xf32, #tpu.memory_space<vmem_shared>>) attributes {dimension_semantics = [#tpu.dimension_semantics<core_parallel>, #tpu.dimension_semantics<subcore_parallel>], iteration_bounds = array<i64: 2, 16>, scalar_prefetch = 0 : i64, scratch_operands = 7 : i64, tpu.core_type = #tpu.core_type<sc_vector_subcore>, window_params = [{transform_indices = #map}, {transform_indices = #map}, {transform_indices = #map}, {transform_indices = #map1}]} {
    %mul3A = arith.constant 2 : i32
    %mul3A_0 = arith.muli %arg1, %mul3A : i32
    %add3A = arith.addi %mul3A_0, %arg0 : i32
    %mul3A_1 = arith.constant 3136 : i32
    %mul3A_2 = arith.muli %add3A, %mul3A_1 : i32
    %ne3A = arith.constant 31 : i32
    %ne3A_3 = arith.cmpi ne, %add3A, %ne3A : i32
    %convert_element_type3A = arith.extui %ne3A_3 : i1 to i32
    %cond3A = arith.constant 0 : i32
    %cond3A_4 = arith.cmpi ne, %convert_element_type3A, %cond3A : i32
    scf.if %cond3A_4 {
      "tpu.region"() ({
        %run_scoped3A = tpu.sem_alloc : memref<!tpu.dma_semaphore, #tpu.memory_space<semaphore_mem>>
        %dma_start3A = tpu.memref_slice %arg3[%mul3A_2] : memref<100000xi32, #tpu.memory_space<hbm>> -> memref<3136xi32, #tpu.memory_space<hbm>>
        %dma_start3A_36 = tpu.memref_slice %arg3[%mul3A_2] : memref<100000xi32, #tpu.memory_space<hbm>> -> memref<3136xi32, #tpu.memory_space<hbm>>
        tpu.enqueue_dma source(%dma_start3A_36 : memref<3136xi32, #tpu.memory_space<hbm>>) target(%arg7 : memref<3136xi32, #tpu.memory_space<vmem>>) target_semaphore(%run_scoped3A : memref<!tpu.dma_semaphore, #tpu.memory_space<semaphore_mem>>)
        %dma_wait3A = tpu.memref_slice %arg3[%mul3A_2] : memref<100000xi32, #tpu.memory_space<hbm>> -> memref<3136xi32, #tpu.memory_space<hbm>>
        %dma_wait3A_37 = tpu.memref_slice %arg3[%mul3A_2] : memref<100000xi32, #tpu.memory_space<hbm>> -> memref<3136xi32, #tpu.memory_space<hbm>>
        tpu.wait_dma2 semaphore(%run_scoped3A : memref<!tpu.dma_semaphore, #tpu.memory_space<semaphore_mem>>) src(%dma_wait3A_37 : memref<3136xi32, #tpu.memory_space<hbm>>) dst(%arg7 : memref<3136xi32, #tpu.memory_space<vmem>>)
        tpu.yield
      }) : () -> ()
      %mul3A_34 = arith.constant 2 : i32
      %mul3A_35 = arith.muli %mul3A_34, %mul3A_2 : i32
      "tpu.region"() ({
        %run_scoped3A = tpu.sem_alloc : memref<!tpu.dma_semaphore, #tpu.memory_space<semaphore_mem>>
        %dma_start3A = tpu.memref_slice %arg2[%mul3A_35] : memref<200000xf32, #tpu.memory_space<hbm>> -> memref<6272xf32, #tpu.memory_space<hbm>>
        %dma_start3A_36 = tpu.memref_slice %arg2[%mul3A_35] : memref<200000xf32, #tpu.memory_space<hbm>> -> memref<6272xf32, #tpu.memory_space<hbm>>
        tpu.enqueue_dma source(%dma_start3A_36 : memref<6272xf32, #tpu.memory_space<hbm>>) target(%arg6 : memref<6272xf32, #tpu.memory_space<vmem>>) target_semaphore(%run_scoped3A : memref<!tpu.dma_semaphore, #tpu.memory_space<semaphore_mem>>)
        %dma_wait3A = tpu.memref_slice %arg2[%mul3A_35] : memref<200000xf32, #tpu.memory_space<hbm>> -> memref<6272xf32, #tpu.memory_space<hbm>>
        %dma_wait3A_37 = tpu.memref_slice %arg2[%mul3A_35] : memref<200000xf32, #tpu.memory_space<hbm>> -> memref<6272xf32, #tpu.memory_space<hbm>>
        tpu.wait_dma2 semaphore(%run_scoped3A : memref<!tpu.dma_semaphore, #tpu.memory_space<semaphore_mem>>) src(%dma_wait3A_37 : memref<6272xf32, #tpu.memory_space<hbm>>) dst(%arg6 : memref<6272xf32, #tpu.memory_space<vmem>>)
        tpu.yield
      }) : () -> ()
    } else {
    }
    %eq3A = arith.constant 31 : i32
    %eq3A_5 = arith.cmpi eq, %add3A, %eq3A : i32
    %convert_element_type3A_6 = arith.extui %eq3A_5 : i1 to i32
    %cond3A_7 = arith.constant 0 : i32
    %cond3A_8 = arith.cmpi ne, %convert_element_type3A_6, %cond3A_7 : i32
    scf.if %cond3A_8 {
      "tpu.region"() ({
        %run_scoped3A = tpu.sem_alloc : memref<!tpu.dma_semaphore, #tpu.memory_space<semaphore_mem>>
        %dma_start3A = arith.constant 0 : i32
        %dma_start3A_36 = tpu.memref_slice %arg7[%dma_start3A] : memref<3136xi32, #tpu.memory_space<vmem>> -> memref<2784xi32, #tpu.memory_space<vmem>>
        %dma_start3A_37 = tpu.memref_slice %arg3[%mul3A_2] : memref<100000xi32, #tpu.memory_space<hbm>> -> memref<2784xi32, #tpu.memory_space<hbm>>
        %dma_start3A_38 = arith.constant 0 : i32
        %dma_start3A_39 = tpu.memref_slice %arg7[%dma_start3A_38] : memref<3136xi32, #tpu.memory_space<vmem>> -> memref<2784xi32, #tpu.memory_space<vmem>>
        %dma_start3A_40 = tpu.memref_slice %arg3[%mul3A_2] : memref<100000xi32, #tpu.memory_space<hbm>> -> memref<2784xi32, #tpu.memory_space<hbm>>
        tpu.enqueue_dma source(%dma_start3A_40 : memref<2784xi32, #tpu.memory_space<hbm>>) target(%dma_start3A_39 : memref<2784xi32, #tpu.memory_space<vmem>>) target_semaphore(%run_scoped3A : memref<!tpu.dma_semaphore, #tpu.memory_space<semaphore_mem>>)
        %dma_wait3A = arith.constant 0 : i32
        %dma_wait3A_41 = tpu.memref_slice %arg7[%dma_wait3A] : memref<3136xi32, #tpu.memory_space<vmem>> -> memref<2784xi32, #tpu.memory_space<vmem>>
        %dma_wait3A_42 = tpu.memref_slice %arg3[%mul3A_2] : memref<100000xi32, #tpu.memory_space<hbm>> -> memref<2784xi32, #tpu.memory_space<hbm>>
        %dma_wait3A_43 = arith.constant 0 : i32
        %dma_wait3A_44 = tpu.memref_slice %arg7[%dma_wait3A_43] : memref<3136xi32, #tpu.memory_space<vmem>> -> memref<2784xi32, #tpu.memory_space<vmem>>
        %dma_wait3A_45 = tpu.memref_slice %arg3[%mul3A_2] : memref<100000xi32, #tpu.memory_space<hbm>> -> memref<2784xi32, #tpu.memory_space<hbm>>
        tpu.wait_dma2 semaphore(%run_scoped3A : memref<!tpu.dma_semaphore, #tpu.memory_space<semaphore_mem>>) src(%dma_wait3A_45 : memref<2784xi32, #tpu.memory_space<hbm>>) dst(%dma_wait3A_44 : memref<2784xi32, #tpu.memory_space<vmem>>)
        tpu.yield
      }) : () -> ()
      %mul3A_34 = arith.constant 2 : i32
      %mul3A_35 = arith.muli %mul3A_34, %mul3A_2 : i32
      "tpu.region"() ({
        %run_scoped3A = tpu.sem_alloc : memref<!tpu.dma_semaphore, #tpu.memory_space<semaphore_mem>>
        %dma_start3A = arith.constant 0 : i32
        %dma_start3A_36 = tpu.memref_slice %arg6[%dma_start3A] : memref<6272xf32, #tpu.memory_space<vmem>> -> memref<5568xf32, #tpu.memory_space<vmem>>
        %dma_start3A_37 = tpu.memref_slice %arg2[%mul3A_35] : memref<200000xf32, #tpu.memory_space<hbm>> -> memref<5568xf32, #tpu.memory_space<hbm>>
        %dma_start3A_38 = arith.constant 0 : i32
        %dma_start3A_39 = tpu.memref_slice %arg6[%dma_start3A_38] : memref<6272xf32, #tpu.memory_space<vmem>> -> memref<5568xf32, #tpu.memory_space<vmem>>
        %dma_start3A_40 = tpu.memref_slice %arg2[%mul3A_35] : memref<200000xf32, #tpu.memory_space<hbm>> -> memref<5568xf32, #tpu.memory_space<hbm>>
        tpu.enqueue_dma source(%dma_start3A_40 : memref<5568xf32, #tpu.memory_space<hbm>>) target(%dma_start3A_39 : memref<5568xf32, #tpu.memory_space<vmem>>) target_semaphore(%run_scoped3A : memref<!tpu.dma_semaphore, #tpu.memory_space<semaphore_mem>>)
        %dma_wait3A = arith.constant 0 : i32
        %dma_wait3A_41 = tpu.memref_slice %arg6[%dma_wait3A] : memref<6272xf32, #tpu.memory_space<vmem>> -> memref<5568xf32, #tpu.memory_space<vmem>>
        %dma_wait3A_42 = tpu.memref_slice %arg2[%mul3A_35] : memref<200000xf32, #tpu.memory_space<hbm>> -> memref<5568xf32, #tpu.memory_space<hbm>>
        %dma_wait3A_43 = arith.constant 0 : i32
        %dma_wait3A_44 = tpu.memref_slice %arg6[%dma_wait3A_43] : memref<6272xf32, #tpu.memory_space<vmem>> -> memref<5568xf32, #tpu.memory_space<vmem>>
        %dma_wait3A_45 = tpu.memref_slice %arg2[%mul3A_35] : memref<200000xf32, #tpu.memory_space<hbm>> -> memref<5568xf32, #tpu.memory_space<hbm>>
        tpu.wait_dma2 semaphore(%run_scoped3A : memref<!tpu.dma_semaphore, #tpu.memory_space<semaphore_mem>>) src(%dma_wait3A_45 : memref<5568xf32, #tpu.memory_space<hbm>>) dst(%dma_wait3A_44 : memref<5568xf32, #tpu.memory_space<vmem>>)
        tpu.yield
      }) : () -> ()
    } else {
    }
    "tpu.region"() ({
      %run_scoped3A = tpu.sem_alloc : memref<!tpu.dma_semaphore, #tpu.memory_space<semaphore_mem>>
      tpu.enqueue_dma source(%arg4 : memref<16xf32, #tpu.memory_space<hbm>>) target(%arg8 : memref<16xf32, #tpu.memory_space<vmem>>) target_semaphore(%run_scoped3A : memref<!tpu.dma_semaphore, #tpu.memory_space<semaphore_mem>>)
      tpu.wait_dma2 semaphore(%run_scoped3A : memref<!tpu.dma_semaphore, #tpu.memory_space<semaphore_mem>>) src(%arg4 : memref<16xf32, #tpu.memory_space<hbm>>) dst(%arg8 : memref<16xf32, #tpu.memory_space<vmem>>)
      tpu.yield
    }) : () -> ()
    %iota3A = tpu.iota {dimensions = array<i32: 0>} : vector<16xi32>
    %mul3A_9 = arith.constant 2 : i32
    %mul3A_10 = vector.broadcast %mul3A_9 : i32 to vector<16xi32>
    %mul3A_11 = arith.muli %iota3A, %mul3A_10 : vector<16xi32>
    %broadcast_in_dim3A = arith.constant 0.000000e+00 : f32
    %broadcast_in_dim3A_12 = vector.broadcast %broadcast_in_dim3A : f32 to vector<16xf32>
    %eq3A_13 = arith.constant 31 : i32
    %eq3A_14 = arith.cmpi eq, %add3A, %eq3A_13 : i32
    %jit3A = arith.constant 174 : i32
    %jit3A_15 = arith.constant 196 : i32
    %select_n3A = arith.select %eq3A_14, %jit3A, %jit3A_15 : i32
    %while3A = arith.constant 0 : i32
    %while3A_16 = arith.subi %select_n3A, %while3A : i32
    %while3A_17 = arith.addi %while3A, %while3A_16 : i32
    %while3A_18 = arith.constant 1 : i32
    %while3A_19 = arith.divsi %while3A_16, %while3A_18 : i32
    %while3A_20 = arith.muli %while3A_19, %while3A_18 : i32
    %while3A_21 = arith.addi %while3A, %while3A_20 : i32
    %while3A_22 = arith.constant 1 : i32
    %while3A_23:2 = scf.for %while3A_34 = %while3A to %while3A_21 step %while3A_22 iter_args(%while3A_35 = %broadcast_in_dim3A_12, %while3A_36 = %broadcast_in_dim3A_12) -> (vector<16xf32>, vector<16xf32>)  : i32 {
      %mul3A_37 = arith.constant 16 : i32
      %mul3A_38 = arith.muli %while3A_34, %mul3A_37 : i32
      %get3A = arith.index_cast %mul3A_38 : i32 to index
      %get3A_39 = tpu.vector_load %arg7[%get3A] {strides = array<i32>} : memref<3136xi32, #tpu.memory_space<vmem>>, vector<16xi32>,
      %mul3A_40 = arith.constant 2 : i32
      %mul3A_41 = arith.muli %mul3A_38, %mul3A_40 : i32
      %add3A_42 = vector.broadcast %mul3A_41 : i32 to vector<16xi32>
      %add3A_43 = arith.addi %mul3A_11, %add3A_42 : vector<16xi32>
      %add3A_44 = arith.constant 1 : i32
      %add3A_45 = vector.broadcast %add3A_44 : i32 to vector<16xi32>
      %add3A_46 = arith.addi %add3A_43, %add3A_45 : vector<16xi32>
      %gather3A = tpu.vector_load_idx %arg6[%add3A_43] : memref<6272xf32, #tpu.memory_space<vmem>>[vector<16xi32>], vector<16xf32>,
      %gather3A_47 = tpu.vector_load_idx %arg6[%add3A_46] : memref<6272xf32, #tpu.memory_space<vmem>>[vector<16xi32>], vector<16xf32>,
      %convert_element_type3A_48 = arith.sitofp %get3A_39 : vector<16xi32> to vector<16xf32>
      %mul3A_49 = arith.constant 2.000000e+00 : f32
      %mul3A_50 = vector.broadcast %mul3A_49 : f32 to vector<16xf32>
      %mul3A_51 = arith.mulf %mul3A_50, %convert_element_type3A_48 : vector<16xf32>
      %sub3A = arith.constant 1.000000e+00 : f32
      %sub3A_52 = vector.broadcast %sub3A : f32 to vector<16xf32>
      %sub3A_53 = arith.subf %mul3A_51, %sub3A_52 : vector<16xf32>
      %sub3A_54 = arith.subf %gather3A, %gather3A_47 : vector<16xf32>
      %mul3A_55 = arith.mulf %sub3A_53, %sub3A_54 : vector<16xf32>
      %abs3A = math.absf %mul3A_55 : vector<16xf32>
      %neg3A = arith.constant 0.000000e+00 : f32
      %neg3A_56 = vector.broadcast %neg3A : f32 to vector<16xf32>
      %neg3A_57 = arith.subf %neg3A_56, %abs3A : vector<16xf32>
      %exp3A = math.exp %neg3A_57 : vector<16xf32>
      %add3A_58 = arith.constant 2.000000e+00 : f32
      %add3A_59 = vector.broadcast %add3A_58 : f32 to vector<16xf32>
      %add3A_60 = arith.addf %exp3A, %add3A_59 : vector<16xf32>
      %div3A = arith.divf %exp3A, %add3A_60 : vector<16xf32>
      %mul3A_61 = arith.mulf %div3A, %div3A : vector<16xf32>
      %mul3A_62 = arith.constant 0.285714298 : f32
      %mul3A_63 = vector.broadcast %mul3A_62 : f32 to vector<16xf32>
      %mul3A_64 = arith.mulf %mul3A_61, %mul3A_63 : vector<16xf32>
      %add3A_65 = arith.constant 4.000000e-01 : f32
      %add3A_66 = vector.broadcast %add3A_65 : f32 to vector<16xf32>
      %add3A_67 = arith.addf %add3A_66, %mul3A_64 : vector<16xf32>
      %mul3A_68 = arith.mulf %mul3A_61, %add3A_67 : vector<16xf32>
      %add3A_69 = arith.constant 0.666666686 : f32
      %add3A_70 = vector.broadcast %add3A_69 : f32 to vector<16xf32>
      %add3A_71 = arith.addf %add3A_70, %mul3A_68 : vector<16xf32>
      %mul3A_72 = arith.mulf %mul3A_61, %add3A_71 : vector<16xf32>
      %add3A_73 = arith.constant 2.000000e+00 : f32
      %add3A_74 = vector.broadcast %add3A_73 : f32 to vector<16xf32>
      %add3A_75 = arith.addf %add3A_74, %mul3A_72 : vector<16xf32>
      %mul3A_76 = arith.mulf %div3A, %add3A_75 : vector<16xf32>
      %max3A = arith.constant 0.000000e+00 : f32
      %max3A_77 = vector.broadcast %max3A : f32 to vector<16xf32>
      %max3A_78 = arith.maximumf %mul3A_55, %max3A_77 : vector<16xf32>
      %add3A_79 = arith.addf %max3A_78, %mul3A_76 : vector<16xf32>
      %gather3A_80 = tpu.vector_load_idx %arg8[%get3A_39] : memref<16xf32, #tpu.memory_space<vmem>>[vector<16xi32>], vector<16xf32>,
      %mul3A_81 = arith.mulf %gather3A_80, %add3A_79 : vector<16xf32>
      %add3A_82 = arith.addf %while3A_35, %mul3A_81 : vector<16xf32>
      %add3A_83 = arith.addf %while3A_36, %gather3A_80 : vector<16xf32>
      scf.yield %add3A_82, %add3A_83 : vector<16xf32>, vector<16xf32>
    }
    %while3A_24 = arith.constant 1 : i32
    %while3A_25:2 = scf.for %while3A_34 = %while3A_21 to %while3A_17 step %while3A_24 iter_args(%while3A_35 = %while3A_23#0, %while3A_36 = %while3A_23#1) -> (vector<16xf32>, vector<16xf32>)  : i32 {
      %mul3A_37 = arith.constant 16 : i32
      %mul3A_38 = arith.muli %while3A_34, %mul3A_37 : i32
      %get3A = arith.index_cast %mul3A_38 : i32 to index
      %get3A_39 = tpu.vector_load %arg7[%get3A] {strides = array<i32>} : memref<3136xi32, #tpu.memory_space<vmem>>, vector<16xi32>,
      %mul3A_40 = arith.constant 2 : i32
      %mul3A_41 = arith.muli %mul3A_38, %mul3A_40 : i32
      %add3A_42 = vector.broadcast %mul3A_41 : i32 to vector<16xi32>
      %add3A_43 = arith.addi %mul3A_11, %add3A_42 : vector<16xi32>
      %add3A_44 = arith.constant 1 : i32
      %add3A_45 = vector.broadcast %add3A_44 : i32 to vector<16xi32>
      %add3A_46 = arith.addi %add3A_43, %add3A_45 : vector<16xi32>
      %gather3A = tpu.vector_load_idx %arg6[%add3A_43] : memref<6272xf32, #tpu.memory_space<vmem>>[vector<16xi32>], vector<16xf32>,
      %gather3A_47 = tpu.vector_load_idx %arg6[%add3A_46] : memref<6272xf32, #tpu.memory_space<vmem>>[vector<16xi32>], vector<16xf32>,
      %convert_element_type3A_48 = arith.sitofp %get3A_39 : vector<16xi32> to vector<16xf32>
      %mul3A_49 = arith.constant 2.000000e+00 : f32
      %mul3A_50 = vector.broadcast %mul3A_49 : f32 to vector<16xf32>
      %mul3A_51 = arith.mulf %mul3A_50, %convert_element_type3A_48 : vector<16xf32>
      %sub3A = arith.constant 1.000000e+00 : f32
      %sub3A_52 = vector.broadcast %sub3A : f32 to vector<16xf32>
      %sub3A_53 = arith.subf %mul3A_51, %sub3A_52 : vector<16xf32>
      %sub3A_54 = arith.subf %gather3A, %gather3A_47 : vector<16xf32>
      %mul3A_55 = arith.mulf %sub3A_53, %sub3A_54 : vector<16xf32>
      %abs3A = math.absf %mul3A_55 : vector<16xf32>
      %neg3A = arith.constant 0.000000e+00 : f32
      %neg3A_56 = vector.broadcast %neg3A : f32 to vector<16xf32>
      %neg3A_57 = arith.subf %neg3A_56, %abs3A : vector<16xf32>
      %exp3A = math.exp %neg3A_57 : vector<16xf32>
      %add3A_58 = arith.constant 2.000000e+00 : f32
      %add3A_59 = vector.broadcast %add3A_58 : f32 to vector<16xf32>
      %add3A_60 = arith.addf %exp3A, %add3A_59 : vector<16xf32>
      %div3A = arith.divf %exp3A, %add3A_60 : vector<16xf32>
      %mul3A_61 = arith.mulf %div3A, %div3A : vector<16xf32>
      %mul3A_62 = arith.constant 0.285714298 : f32
      %mul3A_63 = vector.broadcast %mul3A_62 : f32 to vector<16xf32>
      %mul3A_64 = arith.mulf %mul3A_61, %mul3A_63 : vector<16xf32>
      %add3A_65 = arith.constant 4.000000e-01 : f32
      %add3A_66 = vector.broadcast %add3A_65 : f32 to vector<16xf32>
      %add3A_67 = arith.addf %add3A_66, %mul3A_64 : vector<16xf32>
      %mul3A_68 = arith.mulf %mul3A_61, %add3A_67 : vector<16xf32>
      %add3A_69 = arith.constant 0.666666686 : f32
      %add3A_70 = vector.broadcast %add3A_69 : f32 to vector<16xf32>
      %add3A_71 = arith.addf %add3A_70, %mul3A_68 : vector<16xf32>
      %mul3A_72 = arith.mulf %mul3A_61, %add3A_71 : vector<16xf32>
      %add3A_73 = arith.constant 2.000000e+00 : f32
      %add3A_74 = vector.broadcast %add3A_73 : f32 to vector<16xf32>
      %add3A_75 = arith.addf %add3A_74, %mul3A_72 : vector<16xf32>
      %mul3A_76 = arith.mulf %div3A, %add3A_75 : vector<16xf32>
      %max3A = arith.constant 0.000000e+00 : f32
      %max3A_77 = vector.broadcast %max3A : f32 to vector<16xf32>
      %max3A_78 = arith.maximumf %mul3A_55, %max3A_77 : vector<16xf32>
      %add3A_79 = arith.addf %max3A_78, %mul3A_76 : vector<16xf32>
      %gather3A_80 = tpu.vector_load_idx %arg8[%get3A_39] : memref<16xf32, #tpu.memory_space<vmem>>[vector<16xi32>], vector<16xf32>,
      %mul3A_81 = arith.mulf %gather3A_80, %add3A_79 : vector<16xf32>
      %add3A_82 = arith.addf %while3A_35, %mul3A_81 : vector<16xf32>
      %add3A_83 = arith.addf %while3A_36, %gather3A_80 : vector<16xf32>
      scf.yield %add3A_82, %add3A_83 : vector<16xf32>, vector<16xf32>
    }
    %swap3A = arith.constant 0 : index
    %swap3A_26 = tpu.vector_load %arg9[%swap3A] {strides = array<i32>} : memref<32xf32, #tpu.memory_space<vmem>>, vector<16xf32>,
    tpu.vector_store %arg9[%swap3A], %while3A_25#0 {strides = array<i32>} : memref<32xf32, #tpu.memory_space<vmem>>, vector<16xf32>,
    %swap3A_27 = arith.constant 16 : index
    %swap3A_28 = tpu.vector_load %arg9[%swap3A_27] {strides = array<i32>} : memref<32xf32, #tpu.memory_space<vmem>>, vector<16xf32>,
    tpu.vector_store %arg9[%swap3A_27], %while3A_25#1 {strides = array<i32>} : memref<32xf32, #tpu.memory_space<vmem>>, vector<16xf32>,
    "tpu.region"() ({
      %run_scoped3A = tpu.sem_alloc : memref<!tpu.dma_semaphore, #tpu.memory_space<semaphore_mem>>
      %dma_start3A = arith.constant 0 : i32
      %dma_start3A_34 = tpu.memref_slice %arg12[%arg1, %dma_start3A] : memref<16x32xf32, #tpu.memory_space<vmem_shared>> -> memref<1x32xf32, #tpu.memory_space<vmem_shared>>
      %dma_start3A_35 = tpu.memref_squeeze %dma_start3A_34 : memref<1x32xf32, #tpu.memory_space<vmem_shared>> -> memref<32xf32, #tpu.memory_space<vmem_shared>>
      %dma_start3A_36 = arith.constant 0 : i32
      %dma_start3A_37 = tpu.memref_slice %arg12[%arg1, %dma_start3A_36] : memref<16x32xf32, #tpu.memory_space<vmem_shared>> -> memref<1x32xf32, #tpu.memory_space<vmem_shared>>
      %dma_start3A_38 = tpu.memref_squeeze %dma_start3A_37 : memref<1x32xf32, #tpu.memory_space<vmem_shared>> -> memref<32xf32, #tpu.memory_space<vmem_shared>>
      tpu.enqueue_dma source(%arg9 : memref<32xf32, #tpu.memory_space<vmem>>) target(%dma_start3A_38 : memref<32xf32, #tpu.memory_space<vmem_shared>>) target_semaphore(%run_scoped3A : memref<!tpu.dma_semaphore, #tpu.memory_space<semaphore_mem>>)
      %dma_wait3A = arith.constant 0 : i32
      %dma_wait3A_39 = tpu.memref_slice %arg12[%arg1, %dma_wait3A] : memref<16x32xf32, #tpu.memory_space<vmem_shared>> -> memref<1x32xf32, #tpu.memory_space<vmem_shared>>
      %dma_wait3A_40 = tpu.memref_squeeze %dma_wait3A_39 : memref<1x32xf32, #tpu.memory_space<vmem_shared>> -> memref<32xf32, #tpu.memory_space<vmem_shared>>
      %dma_wait3A_41 = arith.constant 0 : i32
      %dma_wait3A_42 = tpu.memref_slice %arg12[%arg1, %dma_wait3A_41] : memref<16x32xf32, #tpu.memory_space<vmem_shared>> -> memref<1x32xf32, #tpu.memory_space<vmem_shared>>
      %dma_wait3A_43 = tpu.memref_squeeze %dma_wait3A_42 : memref<1x32xf32, #tpu.memory_space<vmem_shared>> -> memref<32xf32, #tpu.memory_space<vmem_shared>>
      tpu.wait_dma2 semaphore(%run_scoped3A : memref<!tpu.dma_semaphore, #tpu.memory_space<semaphore_mem>>) src(%arg9 : memref<32xf32, #tpu.memory_space<vmem>>) dst(%dma_wait3A_43 : memref<32xf32, #tpu.memory_space<vmem_shared>>)
      tpu.yield
    }) : () -> ()
    %barrier3A = arith.constant 0 : index
    tpu.barrier barrier_id(%barrier3A)
    %eq3A_29 = arith.constant 0 : i32
    %eq3A_30 = arith.cmpi eq, %arg1, %eq3A_29 : i32
    %convert_element_type3A_31 = arith.extui %eq3A_30 : i1 to i32
    %cond3A_32 = arith.constant 0 : i32
    %cond3A_33 = arith.cmpi ne, %convert_element_type3A_31, %cond3A_32 : i32
    scf.if %cond3A_33 {
      "tpu.region"() ({
        %run_scoped3A = tpu.sem_alloc : memref<!tpu.dma_semaphore, #tpu.memory_space<semaphore_mem>>
        tpu.enqueue_dma source(%arg12 : memref<16x32xf32, #tpu.memory_space<vmem_shared>>) target(%arg10 : memref<16x32xf32, #tpu.memory_space<vmem>>) target_semaphore(%run_scoped3A : memref<!tpu.dma_semaphore, #tpu.memory_space<semaphore_mem>>)
        tpu.wait_dma2 semaphore(%run_scoped3A : memref<!tpu.dma_semaphore, #tpu.memory_space<semaphore_mem>>) src(%arg12 : memref<16x32xf32, #tpu.memory_space<vmem_shared>>) dst(%arg10 : memref<16x32xf32, #tpu.memory_space<vmem>>)
        tpu.yield
      }) : () -> ()
      %broadcast_in_dim3A_34 = arith.constant 0.000000e+00 : f32
      %broadcast_in_dim3A_35 = vector.broadcast %broadcast_in_dim3A_34 : f32 to vector<16xf32>
      %broadcast_in_dim3A_36 = arith.constant 0.000000e+00 : f32
      %broadcast_in_dim3A_37 = vector.broadcast %broadcast_in_dim3A_36 : f32 to vector<16xf32>
      %get3A = arith.constant 0 : i32
      %get3A_38 = arith.index_cast %get3A : i32 to index
      %get3A_39 = arith.constant 0 : index
      %get3A_40 = tpu.vector_load %arg10[%get3A_38, %get3A_39] {strides = array<i32>} : memref<16x32xf32, #tpu.memory_space<vmem>>, vector<16xf32>,
      %add3A_41 = arith.addf %broadcast_in_dim3A_35, %get3A_40 : vector<16xf32>
      %get3A_42 = arith.constant 0 : i32
      %get3A_43 = arith.index_cast %get3A_42 : i32 to index
      %get3A_44 = arith.constant 16 : index
      %get3A_45 = tpu.vector_load %arg10[%get3A_43, %get3A_44] {strides = array<i32>} : memref<16x32xf32, #tpu.memory_space<vmem>>, vector<16xf32>,
      %add3A_46 = arith.addf %broadcast_in_dim3A_37, %get3A_45 : vector<16xf32>
      %get3A_47 = arith.constant 1 : i32
      %get3A_48 = arith.index_cast %get3A_47 : i32 to index
      %get3A_49 = arith.constant 0 : index
      %get3A_50 = tpu.vector_load %arg10[%get3A_48, %get3A_49] {strides = array<i32>} : memref<16x32xf32, #tpu.memory_space<vmem>>, vector<16xf32>,
      %add3A_51 = arith.addf %add3A_41, %get3A_50 : vector<16xf32>
      %get3A_52 = arith.constant 1 : i32
      %get3A_53 = arith.index_cast %get3A_52 : i32 to index
      %get3A_54 = arith.constant 16 : index
      %get3A_55 = tpu.vector_load %arg10[%get3A_53, %get3A_54] {strides = array<i32>} : memref<16x32xf32, #tpu.memory_space<vmem>>, vector<16xf32>,
      %add3A_56 = arith.addf %add3A_46, %get3A_55 : vector<16xf32>
      %get3A_57 = arith.constant 2 : i32
      %get3A_58 = arith.index_cast %get3A_57 : i32 to index
      %get3A_59 = arith.constant 0 : index
      %get3A_60 = tpu.vector_load %arg10[%get3A_58, %get3A_59] {strides = array<i32>} : memref<16x32xf32, #tpu.memory_space<vmem>>, vector<16xf32>,
      %add3A_61 = arith.addf %add3A_51, %get3A_60 : vector<16xf32>
      %get3A_62 = arith.constant 2 : i32
      %get3A_63 = arith.index_cast %get3A_62 : i32 to index
      %get3A_64 = arith.constant 16 : index
      %get3A_65 = tpu.vector_load %arg10[%get3A_63, %get3A_64] {strides = array<i32>} : memref<16x32xf32, #tpu.memory_space<vmem>>, vector<16xf32>,
      %add3A_66 = arith.addf %add3A_56, %get3A_65 : vector<16xf32>
      %get3A_67 = arith.constant 3 : i32
      %get3A_68 = arith.index_cast %get3A_67 : i32 to index
      %get3A_69 = arith.constant 0 : index
      %get3A_70 = tpu.vector_load %arg10[%get3A_68, %get3A_69] {strides = array<i32>} : memref<16x32xf32, #tpu.memory_space<vmem>>, vector<16xf32>,
      %add3A_71 = arith.addf %add3A_61, %get3A_70 : vector<16xf32>
      %get3A_72 = arith.constant 3 : i32
      %get3A_73 = arith.index_cast %get3A_72 : i32 to index
      %get3A_74 = arith.constant 16 : index
      %get3A_75 = tpu.vector_load %arg10[%get3A_73, %get3A_74] {strides = array<i32>} : memref<16x32xf32, #tpu.memory_space<vmem>>, vector<16xf32>,
      %add3A_76 = arith.addf %add3A_66, %get3A_75 : vector<16xf32>
      %get3A_77 = arith.constant 4 : i32
      %get3A_78 = arith.index_cast %get3A_77 : i32 to index
      %get3A_79 = arith.constant 0 : index
      %get3A_80 = tpu.vector_load %arg10[%get3A_78, %get3A_79] {strides = array<i32>} : memref<16x32xf32, #tpu.memory_space<vmem>>, vector<16xf32>,
      %add3A_81 = arith.addf %add3A_71, %get3A_80 : vector<16xf32>
      %get3A_82 = arith.constant 4 : i32
      %get3A_83 = arith.index_cast %get3A_82 : i32 to index
      %get3A_84 = arith.constant 16 : index
      %get3A_85 = tpu.vector_load %arg10[%get3A_83, %get3A_84] {strides = array<i32>} : memref<16x32xf32, #tpu.memory_space<vmem>>, vector<16xf32>,
      %add3A_86 = arith.addf %add3A_76, %get3A_85 : vector<16xf32>
      %get3A_87 = arith.constant 5 : i32
      %get3A_88 = arith.index_cast %get3A_87 : i32 to index
      %get3A_89 = arith.constant 0 : index
      %get3A_90 = tpu.vector_load %arg10[%get3A_88, %get3A_89] {strides = array<i32>} : memref<16x32xf32, #tpu.memory_space<vmem>>, vector<16xf32>,
      %add3A_91 = arith.addf %add3A_81, %get3A_90 : vector<16xf32>
      %get3A_92 = arith.constant 5 : i32
      %get3A_93 = arith.index_cast %get3A_92 : i32 to index
      %get3A_94 = arith.constant 16 : index
      %get3A_95 = tpu.vector_load %arg10[%get3A_93, %get3A_94] {strides = array<i32>} : memref<16x32xf32, #tpu.memory_space<vmem>>, vector<16xf32>,
      %add3A_96 = arith.addf %add3A_86, %get3A_95 : vector<16xf32>
      %get3A_97 = arith.constant 6 : i32
      %get3A_98 = arith.index_cast %get3A_97 : i32 to index
      %get3A_99 = arith.constant 0 : index
      %get3A_100 = tpu.vector_load %arg10[%get3A_98, %get3A_99] {strides = array<i32>} : memref<16x32xf32, #tpu.memory_space<vmem>>, vector<16xf32>,
      %add3A_101 = arith.addf %add3A_91, %get3A_100 : vector<16xf32>
      %get3A_102 = arith.constant 6 : i32
      %get3A_103 = arith.index_cast %get3A_102 : i32 to index
      %get3A_104 = arith.constant 16 : index
      %get3A_105 = tpu.vector_load %arg10[%get3A_103, %get3A_104] {strides = array<i32>} : memref<16x32xf32, #tpu.memory_space<vmem>>, vector<16xf32>,
      %add3A_106 = arith.addf %add3A_96, %get3A_105 : vector<16xf32>
      %get3A_107 = arith.constant 7 : i32
      %get3A_108 = arith.index_cast %get3A_107 : i32 to index
      %get3A_109 = arith.constant 0 : index
      %get3A_110 = tpu.vector_load %arg10[%get3A_108, %get3A_109] {strides = array<i32>} : memref<16x32xf32, #tpu.memory_space<vmem>>, vector<16xf32>,
      %add3A_111 = arith.addf %add3A_101, %get3A_110 : vector<16xf32>
      %get3A_112 = arith.constant 7 : i32
      %get3A_113 = arith.index_cast %get3A_112 : i32 to index
      %get3A_114 = arith.constant 16 : index
      %get3A_115 = tpu.vector_load %arg10[%get3A_113, %get3A_114] {strides = array<i32>} : memref<16x32xf32, #tpu.memory_space<vmem>>, vector<16xf32>,
      %add3A_116 = arith.addf %add3A_106, %get3A_115 : vector<16xf32>
      %get3A_117 = arith.constant 8 : i32
      %get3A_118 = arith.index_cast %get3A_117 : i32 to index
      %get3A_119 = arith.constant 0 : index
      %get3A_120 = tpu.vector_load %arg10[%get3A_118, %get3A_119] {strides = array<i32>} : memref<16x32xf32, #tpu.memory_space<vmem>>, vector<16xf32>,
      %add3A_121 = arith.addf %add3A_111, %get3A_120 : vector<16xf32>
      %get3A_122 = arith.constant 8 : i32
      %get3A_123 = arith.index_cast %get3A_122 : i32 to index
      %get3A_124 = arith.constant 16 : index
      %get3A_125 = tpu.vector_load %arg10[%get3A_123, %get3A_124] {strides = array<i32>} : memref<16x32xf32, #tpu.memory_space<vmem>>, vector<16xf32>,
      %add3A_126 = arith.addf %add3A_116, %get3A_125 : vector<16xf32>
      %get3A_127 = arith.constant 9 : i32
      %get3A_128 = arith.index_cast %get3A_127 : i32 to index
      %get3A_129 = arith.constant 0 : index
      %get3A_130 = tpu.vector_load %arg10[%get3A_128, %get3A_129] {strides = array<i32>} : memref<16x32xf32, #tpu.memory_space<vmem>>, vector<16xf32>,
      %add3A_131 = arith.addf %add3A_121, %get3A_130 : vector<16xf32>
      %get3A_132 = arith.constant 9 : i32
      %get3A_133 = arith.index_cast %get3A_132 : i32 to index
      %get3A_134 = arith.constant 16 : index
      %get3A_135 = tpu.vector_load %arg10[%get3A_133, %get3A_134] {strides = array<i32>} : memref<16x32xf32, #tpu.memory_space<vmem>>, vector<16xf32>,
      %add3A_136 = arith.addf %add3A_126, %get3A_135 : vector<16xf32>
      %get3A_137 = arith.constant 10 : i32
      %get3A_138 = arith.index_cast %get3A_137 : i32 to index
      %get3A_139 = arith.constant 0 : index
      %get3A_140 = tpu.vector_load %arg10[%get3A_138, %get3A_139] {strides = array<i32>} : memref<16x32xf32, #tpu.memory_space<vmem>>, vector<16xf32>,
      %add3A_141 = arith.addf %add3A_131, %get3A_140 : vector<16xf32>
      %get3A_142 = arith.constant 10 : i32
      %get3A_143 = arith.index_cast %get3A_142 : i32 to index
      %get3A_144 = arith.constant 16 : index
      %get3A_145 = tpu.vector_load %arg10[%get3A_143, %get3A_144] {strides = array<i32>} : memref<16x32xf32, #tpu.memory_space<vmem>>, vector<16xf32>,
      %add3A_146 = arith.addf %add3A_136, %get3A_145 : vector<16xf32>
      %get3A_147 = arith.constant 11 : i32
      %get3A_148 = arith.index_cast %get3A_147 : i32 to index
      %get3A_149 = arith.constant 0 : index
      %get3A_150 = tpu.vector_load %arg10[%get3A_148, %get3A_149] {strides = array<i32>} : memref<16x32xf32, #tpu.memory_space<vmem>>, vector<16xf32>,
      %add3A_151 = arith.addf %add3A_141, %get3A_150 : vector<16xf32>
      %get3A_152 = arith.constant 11 : i32
      %get3A_153 = arith.index_cast %get3A_152 : i32 to index
      %get3A_154 = arith.constant 16 : index
      %get3A_155 = tpu.vector_load %arg10[%get3A_153, %get3A_154] {strides = array<i32>} : memref<16x32xf32, #tpu.memory_space<vmem>>, vector<16xf32>,
      %add3A_156 = arith.addf %add3A_146, %get3A_155 : vector<16xf32>
      %get3A_157 = arith.constant 12 : i32
      %get3A_158 = arith.index_cast %get3A_157 : i32 to index
      %get3A_159 = arith.constant 0 : index
      %get3A_160 = tpu.vector_load %arg10[%get3A_158, %get3A_159] {strides = array<i32>} : memref<16x32xf32, #tpu.memory_space<vmem>>, vector<16xf32>,
      %add3A_161 = arith.addf %add3A_151, %get3A_160 : vector<16xf32>
      %get3A_162 = arith.constant 12 : i32
      %get3A_163 = arith.index_cast %get3A_162 : i32 to index
      %get3A_164 = arith.constant 16 : index
      %get3A_165 = tpu.vector_load %arg10[%get3A_163, %get3A_164] {strides = array<i32>} : memref<16x32xf32, #tpu.memory_space<vmem>>, vector<16xf32>,
      %add3A_166 = arith.addf %add3A_156, %get3A_165 : vector<16xf32>
      %get3A_167 = arith.constant 13 : i32
      %get3A_168 = arith.index_cast %get3A_167 : i32 to index
      %get3A_169 = arith.constant 0 : index
      %get3A_170 = tpu.vector_load %arg10[%get3A_168, %get3A_169] {strides = array<i32>} : memref<16x32xf32, #tpu.memory_space<vmem>>, vector<16xf32>,
      %add3A_171 = arith.addf %add3A_161, %get3A_170 : vector<16xf32>
      %get3A_172 = arith.constant 13 : i32
      %get3A_173 = arith.index_cast %get3A_172 : i32 to index
      %get3A_174 = arith.constant 16 : index
      %get3A_175 = tpu.vector_load %arg10[%get3A_173, %get3A_174] {strides = array<i32>} : memref<16x32xf32, #tpu.memory_space<vmem>>, vector<16xf32>,
      %add3A_176 = arith.addf %add3A_166, %get3A_175 : vector<16xf32>
      %get3A_177 = arith.constant 14 : i32
      %get3A_178 = arith.index_cast %get3A_177 : i32 to index
      %get3A_179 = arith.constant 0 : index
      %get3A_180 = tpu.vector_load %arg10[%get3A_178, %get3A_179] {strides = array<i32>} : memref<16x32xf32, #tpu.memory_space<vmem>>, vector<16xf32>,
      %add3A_181 = arith.addf %add3A_171, %get3A_180 : vector<16xf32>
      %get3A_182 = arith.constant 14 : i32
      %get3A_183 = arith.index_cast %get3A_182 : i32 to index
      %get3A_184 = arith.constant 16 : index
      %get3A_185 = tpu.vector_load %arg10[%get3A_183, %get3A_184] {strides = array<i32>} : memref<16x32xf32, #tpu.memory_space<vmem>>, vector<16xf32>,
      %add3A_186 = arith.addf %add3A_176, %get3A_185 : vector<16xf32>
      %get3A_187 = arith.constant 15 : i32
      %get3A_188 = arith.index_cast %get3A_187 : i32 to index
      %get3A_189 = arith.constant 0 : index
      %get3A_190 = tpu.vector_load %arg10[%get3A_188, %get3A_189] {strides = array<i32>} : memref<16x32xf32, #tpu.memory_space<vmem>>, vector<16xf32>,
      %add3A_191 = arith.addf %add3A_181, %get3A_190 : vector<16xf32>
      %get3A_192 = arith.constant 15 : i32
      %get3A_193 = arith.index_cast %get3A_192 : i32 to index
      %get3A_194 = arith.constant 16 : index
      %get3A_195 = tpu.vector_load %arg10[%get3A_193, %get3A_194] {strides = array<i32>} : memref<16x32xf32, #tpu.memory_space<vmem>>, vector<16xf32>,
      %add3A_196 = arith.addf %add3A_186, %get3A_195 : vector<16xf32>
      %reduce_sum3A = arith.constant true
      %reduce_sum3A_197 = vector.broadcast %reduce_sum3A : i1 to vector<16xi1>
      %reduce_sum3A_198 = tpu.scan <sum>, %add3A_191 masked %reduce_sum3A_197 : vector<16xf32>, vector<16xi1> -> vector<16xf32>
      %reduce_sum3A_199 = vector.extract %reduce_sum3A_198[15] : f32 from vector<16xf32>
      %reduce_sum3A_200 = arith.constant true
      %reduce_sum3A_201 = vector.broadcast %reduce_sum3A_200 : i1 to vector<16xi1>
      %reduce_sum3A_202 = tpu.scan <sum>, %add3A_196 masked %reduce_sum3A_201 : vector<16xf32>, vector<16xi1> -> vector<16xf32>
      %reduce_sum3A_203 = vector.extract %reduce_sum3A_202[15] : f32 from vector<16xf32>
      %eq3A_204 = arith.constant 0 : i32
      %eq3A_205 = vector.broadcast %eq3A_204 : i32 to vector<16xi32>
      %eq3A_206 = arith.cmpi eq, %iota3A, %eq3A_205 : vector<16xi32>
      %eq3A_207 = arith.constant 1 : i32
      %eq3A_208 = vector.broadcast %eq3A_207 : i32 to vector<16xi32>
      %eq3A_209 = arith.cmpi eq, %iota3A, %eq3A_208 : vector<16xi32>
      %jit3A_210 = arith.constant 0.000000e+00 : f32
      %broadcast_in_dim3A_211 = vector.broadcast %reduce_sum3A_203 : f32 to vector<16xf32>
      %broadcast_in_dim3A_212 = vector.broadcast %jit3A_210 : f32 to vector<16xf32>
      %select_n3A_213 = arith.select %eq3A_209, %broadcast_in_dim3A_211, %broadcast_in_dim3A_212 : vector<16xi1>, vector<16xf32>
      %broadcast_in_dim3A_214 = vector.broadcast %reduce_sum3A_199 : f32 to vector<16xf32>
      %select_n3A_215 = arith.select %eq3A_206, %broadcast_in_dim3A_214, %select_n3A_213 : vector<16xi1>, vector<16xf32>
      %swap3A_216 = arith.constant 0 : index
      %swap3A_217 = tpu.vector_load %arg11[%swap3A_216] {strides = array<i32>} : memref<16xf32, #tpu.memory_space<vmem>>, vector<16xf32>,
      tpu.vector_store %arg11[%swap3A_216], %select_n3A_215 {strides = array<i32>} : memref<16xf32, #tpu.memory_space<vmem>>, vector<16xf32>,
      "tpu.region"() ({
        %run_scoped3A = tpu.sem_alloc : memref<!tpu.dma_semaphore, #tpu.memory_space<semaphore_mem>>
        %dma_start3A = arith.constant 0 : i32
        %dma_start3A_218 = tpu.memref_slice %arg5[%arg0, %dma_start3A] : memref<2x16xf32, #tpu.memory_space<hbm>> -> memref<1x16xf32, #tpu.memory_space<hbm>>
        %dma_start3A_219 = tpu.memref_squeeze %dma_start3A_218 : memref<1x16xf32, #tpu.memory_space<hbm>> -> memref<16xf32, #tpu.memory_space<hbm>>
        %dma_start3A_220 = arith.constant 0 : i32
        %dma_start3A_221 = tpu.memref_slice %arg5[%arg0, %dma_start3A_220] : memref<2x16xf32, #tpu.memory_space<hbm>> -> memref<1x16xf32, #tpu.memory_space<hbm>>
        %dma_start3A_222 = tpu.memref_squeeze %dma_start3A_221 : memref<1x16xf32, #tpu.memory_space<hbm>> -> memref<16xf32, #tpu.memory_space<hbm>>
        tpu.enqueue_dma source(%arg11 : memref<16xf32, #tpu.memory_space<vmem>>) target(%dma_start3A_222 : memref<16xf32, #tpu.memory_space<hbm>>) target_semaphore(%run_scoped3A : memref<!tpu.dma_semaphore, #tpu.memory_space<semaphore_mem>>)
        %dma_wait3A = arith.constant 0 : i32
        %dma_wait3A_223 = tpu.memref_slice %arg5[%arg0, %dma_wait3A] : memref<2x16xf32, #tpu.memory_space<hbm>> -> memref<1x16xf32, #tpu.memory_space<hbm>>
        %dma_wait3A_224 = tpu.memref_squeeze %dma_wait3A_223 : memref<1x16xf32, #tpu.memory_space<hbm>> -> memref<16xf32, #tpu.memory_space<hbm>>
        %dma_wait3A_225 = arith.constant 0 : i32
        %dma_wait3A_226 = tpu.memref_slice %arg5[%arg0, %dma_wait3A_225] : memref<2x16xf32, #tpu.memory_space<hbm>> -> memref<1x16xf32, #tpu.memory_space<hbm>>
        %dma_wait3A_227 = tpu.memref_squeeze %dma_wait3A_226 : memref<1x16xf32, #tpu.memory_space<hbm>> -> memref<16xf32, #tpu.memory_space<hbm>>
        tpu.wait_dma2 semaphore(%run_scoped3A : memref<!tpu.dma_semaphore, #tpu.memory_space<semaphore_mem>>) src(%arg11 : memref<16xf32, #tpu.memory_space<vmem>>) dst(%dma_wait3A_227 : memref<16xf32, #tpu.memory_space<hbm>>)
        tpu.yield
      }) : () -> ()
    } else {
    }
    return
  }
}

</mosaic_0001>

<sc_bundles>
// kernel: _sc_loss.3.cloned.1.call-start
scs
__scs_entry_jumppad:
0x0: {  	(pc) =	sbr.rel $0x88, $3  }
0x1: {  	(tag) =	ssettag $0x0;
	lr =	simm.s32 $0x1  }
0x2: {  	[smem:$0x3F9E] =	sst lr;
	_ =	strace $0xD0000000  }
0x3: {  	_ = 	snop  }
0x4: {  	_ = 	snop  }
0x5: {  	_ = 	snop  }
0x6: {  	_ = 	snop  }
0x7: {  	_ = 	snop  }
__scs_overlays_trampoline_lowered:
0x8: {  	[smem:$0x3FAD] =	sst s0  }
0x9: {  	[smem:$0x3FAE] =	sst s1  }
0xa: {  	[smem:$0x3FAF] =	sst s2  }
0xb: {  	[smem:$0x3FB0] =	sst s3  }
0xc: {  	[smem:$0x3FB1] =	sst s4  }
0xd: {  	[smem:$0x3FB2] =	sst s5  }
0xe: {  	[smem:$0x3FB3] =	sst s6  }
0xf: {  	[smem:$0x3FB4] =	sst s7  }
0x10: {  	[smem:$0x3FB5] =	sst s8  }
0x11: {  	[smem:$0x3FB6] =	sst s9;
	s0 =	simm.s32 @!p0 $0x0  }
0x12: {  	s1 =	sld [smem:$0x3F9C];
	s0 =	simm.s32 @p0 $0x1  }
0x13: {  	[smem:$0x3FB7] =	sst s0;
	s0 =	simm.s32 @!p1 $0x0  }
0x14: {  	s2 =	sld [smem:$0x3F9B];
	s0 =	simm.s32 @p1 $0x1  }
0x15: {  	[smem:$0x3FB8] =	sst s0;
	s0 =	simm.s32 @!p2 $0x0  }
0x16: {  	s3 =	sld [smem:$0x3FDB];
	s0 =	simm.s32 @p2 $0x1  }
0x17: {  	s4 =	simm.s32 $0x1BF5;
	[smem:$0x3FBA] =	sst s0  }
0x18: {  	s0 =	sld [smem:$0x3F9D];
	_ =	swait.ge [sflag:s4], $0x0  }
0x19: {  	s7 =	sld [smem:$0x3F9E]  }
0x1a: {  	s8 =	sadd.s32 $0xFFFFE003, lr  }
0x1b: {  	s9 =	sadd.s32 $0xFFFFFEF7, lr;
	s5 =	simm.s32 $0xFFFFFFFF;
	p2 =	slt.u32 s8, $0xFFFFF086  }
0x1c: {  	p1 =	slt.u32 s9, $0xF7A;
	s5 =	simm.s32 @!p2 $0x0  }
0x1d: {  	s5 =	simm.s32 @p1 $0x1;
	p0 =	seq.s32 s7, s2  }
0x1e: {  	s7 =	smul.u32 @!p0 $0xF7A, s2;
	p2 =	seq.s32 @!p0 s5, $0x0  }
0x1f: {  	s9 =	smul.u32 $0xF7A, s1;
	s8 =	simm.s32 @!p0 $0x1BF5;
	p2 =	por !p2, p0  }
0x20: {  	[sflag:s8] =	ssyncset.s32 @!p0 $0xFFFFF086;
	s6 =	sadd.s32 @!p0 s3, s7;
	s7 =	simm.s32 @!p0 $0x108  }
0x21: {  	s3 =	sadd.s32 s3, s9;
	s6 =	sadd.s32 @!p0 $0x88, s6;
	s7 =	simm.s32 @p2 $0x1082  }
0x22: {  	[simem:s7], [sflag:s8] =	dma.local @!p0 [hbm:s6], $0xF7A  }
0x23: {  	s9 =	sor.u32 $0xD0000000, s2;
	s6 =	simm.s32 $0x108;
	_ =	swait.ge @!p0 [sflag:s8], $0x0  }
0x24: {  	s3 =	sadd.s32 $0x88, s3;
	s6 =	simm.s32 @!p1 $0x1082;
	[sflag:s4] =	ssyncset.s32 $0xFFFFF086  }
0x25: {  	[simem:s6], [sflag:s4] =	dma.local [hbm:s3], $0xF7A  }
0x26: {  	[smem:$0x3F9E] =	sst s1;
	(tag) =	ssettag s2;
	_ =	strace s9  }
0x27: {  	s1 =	sld [smem:$0x3FAE]  }
0x28: {  	s2 =	sld [smem:$0x3FAF]  }
0x29: {  	s4 =	sld [smem:$0x3FB1]  }
0x2a: {  	p0 =	seq.s32 s5, $0x0;
	s5 =	sld [smem:$0x3FB2]  }
0x2b: {  	s6 =	sld [smem:$0x3FB3]  }
0x2c: {  	s7 =	sld [smem:$0x3FB4]  }
0x2d: {  	s3 =	simm.s32 $0x108;
	s8 =	sld [smem:$0x3FB5]  }
0x2e: {  	s3 =	simm.s32 @!p0 $0x1082;
	s9 =	sld [smem:$0x3FB6]  }
0x2f: {  	lr =	sadd.s32 s0, s3;
	s0 =	sld [smem:$0x3FAD]  }
0x30: {  	s3 =	sld [smem:$0x3FB0]  }
0x31: {  	[smem:$0x3FB9] =	sst s10  }
0x32: {  	s10 =	sld [smem:$0x3FB7];
	_ =	sdelay $0x3  }
0x33: {  	p0 =	seq.s32 s10, $0x1;
	s10 =	sld [smem:$0x3FB9];
	_ =	sdelay $0x3  }
0x34: {  	[smem:$0x3FB9] =	sst s10  }
0x35: {  	s10 =	sld [smem:$0x3FB8];
	_ =	sdelay $0x3  }
0x36: {  	p1 =	seq.s32 s10, $0x1;
	s10 =	sld [smem:$0x3FB9];
	_ =	sdelay $0x3  }
0x37: {  	[smem:$0x3FB9] =	sst s10  }
0x38: {  	s10 =	sld [smem:$0x3FBA]  }
0x39: {  	_ = 	snop;
	(pc) =	sbr.ind lr, $3  }
0x3a: {  	_ = 	snop  }
0x3b: {  	_ = 	snop  }
0x3c: {  	p2 =	seq.s32 s10, $0x1;
	s10 =	sld [smem:$0x3FB9]  }
0x3d: {  	_ =	shalt  }
0x3e: {  	_ =	shalt  }
0x3f: {  	_ =	shalt  }
0x40: {  	_ =	shalt  }
0x41: {  	_ =	shalt  }
0x42: {  	_ =	shalt  }
0x43: {  	_ =	shalt  }
0x44: {  	_ =	shalt  }
0x45: {  	_ =	shalt  }
0x46: {  	_ =	shalt  }
0x47: {  	_ =	shalt  }
0x48: {  	_ =	shalt  }
0x49: {  	_ =	shalt  }
0x4a: {  	_ =	shalt  }
0x4b: {  	_ =	shalt  }
0x4c: {  	_ =	shalt  }
0x4d: {  	_ =	shalt  }
0x4e: {  	_ =	shalt  }
0x4f: {  	_ =	shalt  }
0x50: {  	_ =	shalt  }
0x51: {  	_ =	shalt  }
0x52: {  	_ =	shalt  }
0x53: {  	_ =	shalt  }
0x54: {  	_ =	shalt  }
0x55: {  	_ =	shalt  }
0x56: {  	_ =	shalt  }
0x57: {  	_ =	shalt  }
0x58: {  	_ =	shalt  }
0x59: {  	_ =	shalt  }
0x5a: {  	_ =	shalt  }
0x5b: {  	_ =	shalt  }
0x5c: {  	_ =	shalt  }
0x5d: {  	_ =	shalt  }
0x5e: {  	_ =	shalt  }
0x5f: {  	_ =	shalt  }
0x60: {  	_ =	shalt  }
0x61: {  	_ =	shalt  }
0x62: {  	_ =	shalt  }
0x63: {  	_ =	shalt  }
0x64: {  	_ =	shalt  }
0x65: {  	_ =	shalt  }
0x66: {  	_ =	shalt  }
0x67: {  	_ =	shalt  }
0x68: {  	_ =	shalt  }
0x69: {  	_ =	shalt  }
0x6a: {  	_ =	shalt  }
0x6b: {  	_ =	shalt  }
0x6c: {  	_ =	shalt  }
0x6d: {  	_ =	shalt  }
0x6e: {  	_ =	shalt  }
0x6f: {  	_ =	shalt  }
0x70: {  	_ =	shalt  }
0x71: {  	_ =	shalt  }
0x72: {  	_ =	shalt  }
0x73: {  	_ =	shalt  }
0x74: {  	_ =	shalt  }
0x75: {  	_ =	shalt  }
0x76: {  	_ =	shalt  }
0x77: {  	_ =	shalt  }
0x78: {  	_ =	shalt  }
0x79: {  	_ =	shalt  }
0x7a: {  	_ =	shalt  }
0x7b: {  	_ =	shalt  }
0x7c: {  	_ =	shalt  }
0x7d: {  	_ =	shalt  }
0x7e: {  	_ =	shalt  }
0x7f: {  	_ =	shalt  }
0x80: {  	_ =	shalt  }
0x81: {  	_ =	shalt  }
0x82: {  	_ =	shalt  }
0x83: {  	_ =	shalt  }
0x84: {  	_ =	shalt  }
0x85: {  	_ =	shalt  }
0x86: {  	_ =	shalt  }
0x87: {  	_ =	shalt  }
.Lfunc_end0:
.L_simem_size_0:
called_computation_lowered:
.L_overlay_start_0:
0x88: {  	s2 =	sld [smem:$0x3FD9]  }
0x89: {  	s3 =	sld [smem:$0x3FFE];
	_ =	sdelay $0x1  }
0x8a: {  	s1 =	srdreg.scid  }
0x8b: {  	s0 =	sand.u32 $0x1, s1  }
0x8c: {  	s18 =	sshll.u32 s0, $0xA;
	s2 =	sadd.s32 s3, s2  }
0x8d: {  	s2 =	sadd.s32 s2, s18  }
0x8e: {  	[smem:$0x3FC5] =	sst s2  }
0x8f: {  	_ = 	snop  }
0x90: {  	s2 =	sld [smem:$0x3FC9]  }
0x91: {  	s19 =	sld [smem:$0x3FC8]  }
0x92: {  	s4 =	sld [smem:$0x3FC7]  }
0x93: {  	s5 =	sld [smem:$0x3FD0];
	(tm) =	ssettm $0x1  }
0x94: {  	s6 =	sld [smem:$0x3FFB];
	_ =	sdelay $0x3  }
0x95: {  	_ =	strace s6  }
0x96: {  	s6 =	sld [smem:$0x3FFC];
	_ =	sdelay $0x3  }
0x97: {  	_ =	strace s6  }
0x98: {  	s6 =	sld [smem:$0x3FFD];
	_ =	sdelay $0x3  }
0x99: {  	_ =	strace s6  }
0x9a: {  	_ =	strace $0x8FFFFFFF  }
0x9b: {  	s20 =	sld [smem:$0x3FDB];
	_ =	sdelay $0x1  }
0x9c: {  	s7 =	simm.s32 $_scs_section_size  }
0x9d: {  	s8 =	simm.s32 $_size__tile_overlayer_lowered;
	s9 =	simm.s32 $_tile_overlayer_lowered  }
0x9e: {  	s23 =	simm.s32 $0x1BFF;
	s22 =	sshll.u32 s9, $0x1;
	s6 =	sadd.s32 s7, s20  }
0x9f: {  	s10 =	simm.s32 $0x0;
	s21 =	sshll.u32 s8, $0x1;
	s8 =	sadd.s32 s22, s6  }
0xa0: {  	[timem:s10], [sflag:s23] =	dma.local [hbm:s8], s21  }
0xa1: {  	_ =	swait.ge [sflag:s23], s21  }
0xa2: {  	s7 =	ssub.s32 $0x0, s21;
	[sflag:s23] =	ssyncset.done $0x0  }
0xa3: {  	[sflag:s23] =	ssyncadd.s32 s7;
	_ =	sdelay $0x1  }
0xa4: {  	s24 =	simm.s32 $0x1B8B  }
0xa5: {  	_ =	swait.ge [sflag:s24], $0x1  }
0xa6: {  	[sflag:s24] =	ssyncset.done $0x0  }
0xa7: {  	s25 =	simm.s32 $0x1B8E;
	[sflag:s24] =	ssyncadd.s32 $0xFFFFFFFF  }
0xa8: {  	s26 =	simm.s32 $execute0_lowered;
	[smem:$0x3FD2] =	sst s25  }
0xa9: {  	s7 =	sshll.u32 s26, $0x1;
	_ =	strace $0x80000046;
	[dreg:$0x1] =	wrdreg $0xFFFFFFFF  }
0xaa: {  	s28 =	simm.s32 $_size_execute0_lowered;
	s6 =	sadd.s32 s6, s7;
	[dreg:$0x0] =	wrdreg $0x0  }
0xab: {  	s7 =	sshll.u32 s28, $0x1;
	[dreg:$0x2] =	wrdreg s6  }
0xac: {  	[dreg:$0x3] =	wrdreg s7  }
0xad: {  	[dreg:$0x4] =	wrdreg $0xC0  }
0xae: {  	_ =	task [dreg:s10], $0x5FFFF  }
0xaf: {  	[dreg:$0x1] =	wrdreg $0xFFFFFFFF  }
0xb0: {  	[dreg:$0x0] =	wrdreg $0x60  }
0xb1: {  	[dreg:$0x2] =	wrdreg s2  }
0xb2: {  	[dreg:$0x3] =	wrdreg s19  }
0xb3: {  	[dreg:$0x4] =	wrdreg s4  }
0xb4: {  	[dreg:$0x5] =	wrdreg s5  }
0xb5: {  	[dreg:$0x6] =	wrdreg $0x2E800  }
0xb6: {  	[dreg:$0x7] =	wrdreg $0x9  }
0xb7: {  	_ =	task.clear_ibuf [dreg:s10], $0x8FFFF;
	_ =	strace $0x90000046  }
0xb8: {  	s29 =	simm.s32 $0x9;
	_ =	strace $0x80000048  }
0xb9: {  	_ =	swait.ge [sflag:s29], $0x1  }
0xba: {  	[sflag:s29] =	ssyncadd.s32 $0xFFFFFFFF  }
0xbb: {  	_ =	strace $0x90000048  }
0xbc: {  	_ =	sfence  }
0xbd: {  	s30 =	sld [smem:$0x0];
	_ =	sdelay $0x2  }
0xbe: {  	s31 =	sshll.u32 s1, $0xD;
	s1 =	sshrl.u32 s1, $0x2  }
0xbf: {  	s3 =	sand.u32 $0x4000, s31;
	s1 =	sadd.s32 s1, s30  }
0xc0: {  	s0 =	sor.u32 s3, s0;
	s1 =	sshll.u32 s1, $0x11  }
0xc1: {  	s0 =	sor.u32 s1, s0  }
0xc2: {  	s0 =	sadd.s32 $0x8F2B, s0  }
0xc3: {  	[sflag:s0] =	ssyncadd.remote.s32 $0x1  }
0xc4: {  	_ =	sfence.sel $0xFFFF  }
0xc5: {  	[dreg:$0x0] =	wrdreg $0xFFFFFFFF;
	(pc) =	sbr.abs _section_cstart, $3  }
0xc6: {  	[dreg:$0x1] =	wrdreg $0xFFFFFFFF  }
0xc7: {  	_ =	task.clear_ibuf [dreg:s10], $0x2FFFF;
	_ =	strace $0x9FFFFFFF  }
0xc8: {  	(tm) =	ssettm $0x7FFFFFFF  }
0xc9: {  	_ =	shalt  }
tec
execute0_lowered:
.L_overlay_start_1:
0x0: {  	(tag) =	ssettag $0x1  }
0x1: {  	s7 =	rddreg [dreg:$0x0]  }
0x2: {  	s6 =	rddreg [dreg:$0x1]  }
0x3: {  	s0 =	rddreg [dreg:$0x2]  }
0x4: {  	s1 =	srdreg.scid;
	s9 =	rddreg [dreg:$0x3]  }
0x5: {  	s13 =	stileid.u32;
	s2 =	rddreg [dreg:$0x4]  }
0x6: {  	s3 =	simm.s32 $0x0;
	s15 =	simm.s32 $0x2E00;
	s16 =	simm.s32 $0x0  }
0x7: {  	s8 =	sand.u32 $0x1, s1;
	s30 =	sshll.u32 s13, $0x1;
	s1 =	rddreg [dreg:$0x5]  }
0x8: {  	[smem:$0x7FF] =	sst s3;
	s31 =	sshll.u32 s13, $0x7;
	p0 =	sne.s32 s13, $0x0  }
0x9: {  	s11 =	sor.u32 s8, s30;
	s5 =	ssub.s32 $0x2, s8;
	_ =	strace $0x80000047  }
0xa: {  	s14 =	sshll.u32 s8, $0x4;
	s8 =	sadd.s32 s31, s2;
	s4 =	smul.u32 $0x188, s11  }
0xb: {  	s13 =	simm.s32 @!p0 $0x0;
	s10 =	smul.u32 $0x310, s11;
	s12 =	sshrl.u32 s5, $0x1  }
.Ltmp0:
0xc: {  	s9 =	sadd.s32 s9, s14;
	p1 =	seq.s32 s11, $0x1F;
	(pc) =	sbr.rel .LBB2_1-.Ltmp0, $4  }
0xd: {  	v0 =	vlaneseq.u32;
	s11 =	simm.s32 $0x2500;
	s13 =	simm.s32 @p0 $0x1;
	s14 =	simm.s32 $0x2600  }
0xe: {  	v0 =	vmul.u32 $0x2, v0;
	s12 =	ssub.s32 s5, s12;
	[smem:$0x7FD] =	sst s13;
	s13 =	simm.s32 $0x2580  }
0xf: {  	s4 =	sadd.s32 s6, s4;
	s5 =	sadd.s32 s7, s10;
	s6 =	sadd.s32 $0x2F78, s6  }
0x10: {  	vm0 =	vcmask $0x704;
	vm1 =	vcmask $0x3F04;
	v1 =	vor.u32 $0x1, v0;
	s7 =	sadd.s32 $0x5EF0, s7;
	s10 =	smax.u32 s12, $0x1;
	s12 =	simm.s32 $0x1  }
.LBB2_17:
0x11: {  	s16 =	sadd.s32 $0x1, s16  }
0x12: {  	p0 =	sne.s32 s16, s10  }
.Ltmp1:
0x13: {  	_ = 	snop;
	(pc) =	sbr.rel @!p0 .LBB2_18-.Ltmp1, $1  }
0x14: {  	_ =	sdelay $0x3  }
.LBB2_1:
0x15: {  	s17 =	simm.s32 @p1 $0x0;
	s18 =	simm.s32 @p1 $0x1880  }
0x16: {  	[tilespmem:s18], [sflag:$0x1] =	stream.linear.gather @p1 [hbm4b:s6+s17], $0xAE0, $0x38;
	[tilespmem:$0x2EA0] =	vst v63  }
0x17: {  	s18 =	simm.s32 @p1 $0x1  }
0x18: {  	_ =	swait.ge @p1 [sflag:s18], $0xAE0  }
0x19: {  	[sflag:s18] =	ssyncset.done @p1 $0x0  }
0x1a: {  	[sflag:s18] =	ssyncadd.s32 @p1 $0xFFFFF520  }
0x1b: {  	[tilespmem:s17], [sflag:$0x1] =	stream.linear.gather @p1 [hbm4b:s7+s17], $0x15C0, $0x38;
	[tilespmem:$0x2EA0] =	vst v63  }
0x1c: {  	_ =	swait.ge @p1 [sflag:s18], $0x15C0  }
0x1d: {  	[sflag:s18] =	ssyncset.done @p1 $0x0  }
0x1e: {  	s17 =	simm.s32 @!p1 $0x0;
	[sflag:s18] =	ssyncadd.s32 @p1 $0xFFFFEA40;
	s18 =	simm.s32 @!p1 $0x1880  }
0x1f: {  	[tilespmem:s18], [sflag:$0x1] =	stream.linear.gather @!p1 [hbm4b:s4+s17], $0xC40, $0x38;
	[tilespmem:$0x2EA0] =	vst v63  }
0x20: {  	s18 =	simm.s32 @!p1 $0x1  }
0x21: {  	_ =	swait.ge @!p1 [sflag:s18], $0xC40  }
0x22: {  	[sflag:s18] =	ssyncset.done @!p1 $0x0  }
0x23: {  	[sflag:s18] =	ssyncadd.s32 @!p1 $0xFFFFF3C0  }
0x24: {  	[tilespmem:s17], [sflag:$0x1] =	stream.linear.gather @!p1 [hbm4b:s5+s17], $0x1880, $0x38;
	[tilespmem:$0x2EA0] =	vst v63  }
0x25: {  	_ =	swait.ge @!p1 [sflag:s18], $0x1880  }
0x26: {  	[sflag:s18] =	ssyncset.done @!p1 $0x0  }
0x27: {  	[sflag:s18] =	ssyncadd.s32 @!p1 $0xFFFFE780  }
0x28: {  	[tilespmem:s11], [sflag:$0x1] =	stream.linear.gather [hbm4b:s0+s3], $0x80, $0x38;
	[tilespmem:$0x2EA0] =	vst v63  }
0x29: {  	s17 =	simm.s32 @!p1 $0xC4;
	_ =	swait.ge [sflag:s12], $0x80  }
0x2a: {  	s17 =	simm.s32 @p1 $0xAE;
	[sflag:s12] =	ssyncset.done $0x0  }
0x2b: {  	s31 =	simm.s32 $0x1880;
	v2 =	vor.u32 s3, v0;
	s17 =	sshll.u32 s17, $0x5;
	[sflag:s12] =	ssyncadd.s32 $0xFFFFFF80  }
0x2c: {  	v3 =	vor.u32 s3, v1;
	p0 =	sne.s32 s17, $0x20;
	v4 =	vld [tilespmem:s31+$0x0]  }
.Ltmp2:
0x2d: {  	_ = 	snop;
	(pc) =	sbr.rel @!p0 .LBB2_2-.Ltmp2, $3  }
0x2e: {  	_ =	sdelay $0x1  }
0x2f: {  	p2 =	por $0x0, $0x0;
	p3 =	por $0x0, $0x0;
	p4 =	por $0x0, $0x0;
	v6 =	vld.idx.msk [tilespmem:v2+s3+$0x0], $0xffff  }
0x30: {  	p5 =	por $0x0, $0x0;
	p6 =	por $0x0, $0x0;
	s18 =	simm.s32 $0x20;
	v2 =	vimm.f32 $0.0e+00;
	v12 =	vld.idx.msk [tilespmem:v3+s3+$0x0], $0xffff;
	v16 =	vcvt.s32.f32 v4  }
0x31: {  	_ =	sdelay $0x1  }
0x32: {  	s19 =	simm.s32 $0x1890;
	v8 =	vor.u32 s18, v1;
	v5 =	vadd.f32 v16, v16  }
0x33: {  	v3 =	vor.u32 s18, v0;
	p0 =	sne.s32 s17, $0x40;
	v7 =	vld [tilespmem:s19+$0x0]  }
.Ltmp3:
0x34: {  	v5 =	vadd.f32 $-1.000000000e+00, v5;
	v6 =	vsub.f32 v6, v12;
	(pc) =	sbr.rel @!p0 .LBB2_4-.Ltmp3, $4  }
0x35: {  	_ = 	snop  }
0x36: {  	v5 =	vmul.f32 v6, v5  }
0x37: {  	v12 =	vld.idx.msk [tilespmem:v8+s3+$0x0], $0xffff  }
0x38: {  	s18 =	simm.s32 $0x40;
	p2 =	por $0x1, $0x1;
	v6 =	vld.idx.msk [tilespmem:v3+s3+$0x0], $0xffff;
	v16 =	vcvt.s32.f32 v7;
	v20 =	vand.u32 $0x7FFFFFFF, v5  }
0x39: {  	_ =	sdelay $0x1  }
0x3a: {  	v3 =	vor.u32 s18, v0;
	s19 =	simm.s32 $0x18A0;
	v8 =	vadd.f32 v16, v16  }
0x3b: {  	v11 =	vor.u32 s18, v1;
	v9 =	vsub.f32 $0.0e+00, v20;
	p0 =	sne.s32 s17, $0x60;
	v10 =	vld [tilespmem:s19+$0x0]  }
.Ltmp4:
0x3c: {  	v8 =	vadd.f32 $-1.000000000e+00, v8;
	v6 =	vsub.f32 v6, v12;
	(pc) =	sbr.rel @!p0 .LBB2_6-.Ltmp4, $4  }
0x3d: {  	_ = 	snop  }
0x3e: {  	v12 =	vmul.f32 $1.442695020e+00, v9;
	v9 =	vmul.f32 v6, v8  }
0x3f: {  	v6 =	vld.idx.msk [tilespmem:v3+s3+$0x0], $0xffff  }
0x40: {  	s18 =	simm.s32 $0x60;
	p3 =	por $0x1, $0x1;
	(erf) = vpow2.f32 v12;
	v12 =	vld.idx.msk [tilespmem:v11+s3+$0x0], $0xffff;
	v16 =	vcvt.s32.f32 v10;
	v20 =	vand.u32 $0x7FFFFFFF, v9  }
0x41: {  	_ =	sdelay $0x3  }
0x42: {  	v8 =	vadd.f32 v16, v16  }
0x43: {  	v11 =	vor.u32 s18, v0;
	s19 =	simm.s32 $0x18B0  }
0x44: {  	v14 =	vor.u32 s18, v1;
	v13 =	vsub.f32 $0.0e+00, v20;
	p0 =	sne.s32 s17, $0x80;
	v3 =	vld [tilespmem:s19+$0x0]  }
.Ltmp5:
0x45: {  	v6 =	vsub.f32 v6, v12;
	v12 =	vadd.f32 $-1.000000000e+00, v8;
	(pc) =	sbr.rel @!p0 .LBB2_8-.Ltmp5, $4  }
0x46: {  	v15 =	vmul.f32 $1.442695020e+00, v13;
	v8 =	vpop (erf)  }
0x47: {  	v13 =	vmul.f32 v6, v12;
	v16 =	vadd.f32 $2.000000000e+00, v8  }
0x48: {  	v6 =	vld.idx.msk [tilespmem:v11+s3+$0x0], $0xffff;
	(erf) = vpow2.f32 v15  }
0x49: {  	s18 =	simm.s32 $0x80;
	p4 =	por $0x1, $0x1;
	v12 =	vld.idx.msk [tilespmem:v14+s3+$0x0], $0xffff;
	v20 =	vand.u32 $0x7FFFFFFF, v13;
	(erf) = vrcp.f32 v16;
	v16 =	vcvt.s32.f32 v3  }
0x4a: {  	_ =	sdelay $0x3  }
0x4b: {  	v11 =	vsub.f32 $0.0e+00, v20;
	s19 =	simm.s32 $0x18C0;
	v15 =	vadd.f32 v16, v16  }
0x4c: {  	v16 =	vor.u32 s18, v1;
	v35 =	vld [tilespmem:s19+$0x0]  }
0x4d: {  	v14 =	vor.u32 s18, v0;
	p0 =	sne.s32 s17, $0xA0;
	v11 =	vmul.f32 $1.442695020e+00, v11  }
.Ltmp6:
0x4e: {  	v6 =	vsub.f32 v6, v12;
	v12 =	vadd.f32 $-1.000000000e+00, v15;
	v17 =	vpop (erf);
	(pc) =	sbr.rel @!p0 .LBB2_10-.Ltmp6, $4  }
0x4f: {  	(erf) = vpow2.f32 v11;
	v15 =	vpop (erf)  }
0x50: {  	v11 =	vmul.f32 v6, v12;
	v18 =	vadd.f32 $2.000000000e+00, v17;
	v15 =	vmul.f32 v15, v8  }
0x51: {  	v12 =	vld.idx.msk [tilespmem:v16+s3+$0x0], $0xffff;
	v16 =	vcvt.s32.f32 v35  }
0x52: {  	p5 =	por $0x1, $0x1;
	s19 =	simm.s32 $0xA0;
	v6 =	vld.idx.msk [tilespmem:v14+s3+$0x0], $0xffff;
	v20 =	vand.u32 $0x7FFFFFFF, v11;
	(erf) = vrcp.f32 v18;
	v18 =	vmul.f32 v15, v15  }
0x53: {  	_ = 	snop  }
0x54: {  	v19 =	vmul.f32 $2.857142980e-01, v18  }
0x55: {  	v14 =	vsub.f32 $0.0e+00, v20  }
0x56: {  	v21 =	vor.u32 s19, v1;
	v19 =	vadd.f32 $4.000000060e-01, v19  }
0x57: {  	v16 =	vadd.f32 v16, v16;
	s18 =	simm.s32 $0x18D0;
	v20 =	vor.u32 s19, v0;
	v14 =	vmul.f32 $1.442695020e+00, v14  }
0x58: {  	v36 =	vld [tilespmem:s18+$0x0];
	v6 =	vsub.f32 v6, v12;
	v25 =	vpop (erf);
	v19 =	vmul.f32 v19, v18  }
0x59: {  	p0 =	sne.s32 s17, $0xC0;
	v12 =	vadd.f32 $-1.000000000e+00, v16;
	(erf) = vpow2.f32 v14;
	v14 =	vadd.f32 $2.000000000e+00, v25  }
.Ltmp7:
0x5a: {  	v19 =	vadd.f32 $6.666666860e-01, v19;
	(pc) =	sbr.rel @!p0 .LBB2_12-.Ltmp7, $4  }
0x5b: {  	v37 =	vmul.f32 v6, v12;
	v12 =	vld.idx.msk [tilespmem:v21+s3+$0x0], $0xffff;
	v21 =	vmov v4;
	v16 =	vpop (erf);
	(erf) = vrcp.f32 v14  }
0x5c: {  	v22 =	vmov v10;
	v30 =	vmov v15;
	v6 =	vld.idx.msk [tilespmem:v20+s3+$0x0], $0xffff;
	v23 =	vmul.f32 v16, v17  }
0x5d: {  	v27 =	vmovc v5;
	v24 =	vmovc v9;
	v32 =	vimm.f32 $0.0e+00;
	v33 =	vimm.f32 $0.0e+00;
	v16 =	vcvt.s32.f32 v36  }
0x5e: {  	s19 =	simm.s32 $0xC0;
	p6 =	por $0x1, $0x1;
	v26 =	vmovc v13;
	v20 =	vand.u32 $0x7FFFFFFF, v37;
	v28 =	vmul.f32 v19, v18;
	v14 =	vmul.f32 v23, v23;
	v19 =	vmovc v7  }
.LBB2_13:
0x5f: {  	v29 =	vor.u32 s19, v0;
	v31 =	vor.u32 s19, v1;
	v40 =	vsub.f32 $0.0e+00, v20  }
0x60: {  	v16 =	vadd.f32 v16, v16;
	v34 =	vmul.f32 $2.857142980e-01, v14;
	v28 =	vadd.f32 $2.000000000e+00, v28;
	v38 =	vld.idx.msk [tilespmem:v21+s11+$0x0], $0xffff;
	v21 =	vmovc v19;
	v19 =	vmovc v22  }
0x61: {  	s18 =	sadd.s32 $0x10, s18;
	v39 =	vsub.f32 v6, v12;
	v22 =	vmovc v3;
	v3 =	vmovc v35;
	v35 =	vmov v36;
	v6 =	vmul.f32 $1.442695020e+00, v40  }
0x62: {  	s19 =	sadd.s32 $0x20, s19;
	v16 =	vadd.f32 $-1.000000000e+00, v16;
	v36 =	vld [tilespmem:s18+$0x0];
	v20 =	vpop (erf);
	v12 =	vadd.f32 $4.000000060e-01, v34;
	v28 =	vmul.f32 v28, v30  }
0x63: {  	p0 =	sne.s32 s17, s19;
	v34 =	vmax.f32 v27, $0.0e+00;
	v27 =	vmovc v24;
	v24 =	vmovc v26;
	(erf) = vpow2.f32 v6;
	v41 =	vadd.f32 $2.000000000e+00, v20  }
.Ltmp8:
0x64: {  	v26 =	vmov v11;
	v6 =	vld.idx.msk [tilespmem:v29+s3+$0x0], $0xffff;
	v29 =	vpop (erf);
	v40 =	vmul.f32 v12, v14;
	v28 =	vadd.f32 v28, v34;
	(pc) =	sbr.rel @p0 .LBB2_13-.Ltmp8, $4  }
0x65: {  	v11 =	vmovc v37;
	v30 =	vmov v23;
	v37 =	vmul.f32 v39, v16;
	v12 =	vld.idx.msk [tilespmem:v31+s3+$0x0], $0xffff;
	(erf) = vrcp.f32 v41  }
0x66: {  	v23 =	vmul.f32 v29, v25;
	v25 =	vmovc v20;
	v29 =	vadd.f32 $6.666666860e-01, v40;
	v31 =	vmul.f32 v28, v38  }
0x67: {  	v20 =	vand.u32 $0x7FFFFFFF, v37;
	v32 =	vadd.f32 v38, v32;
	v16 =	vcvt.s32.f32 v36  }
0x68: {  	v28 =	vmul.f32 v29, v14;
	v14 =	vmul.f32 v23, v23;
	v33 =	vadd.f32 v31, v33  }
0x69: {  	v31 =	vmovc v3;
	v34 =	vmovc v11;
	v29 =	vmov v35;
	v3 =	vmov v36;
	v11 =	vmov v37  }
.LBB2_15:
0x6a: {  	v16 =	vadd.f32 v16, v16  }
0x6b: {  	v20 =	vsub.f32 @p2 $0.0e+00, v20  }
0x6c: {  	v6 =	vsub.f32 v6, v12;
	v51 =	vadd.f32 $-1.000000000e+00, v16;
	_ =	sdelay $0x1  }
0x6d: {  	v16 =	vmul.f32 @p2 $1.442695020e+00, v20;
	v6 =	vmul.f32 v6, v51;
	_ =	sdelay $0x1  }
0x6e: {  	v12 =	vpop @p3 (erf);
	v20 =	vmul.f32 @p5 $2.857142980e-01, v14;
	(erf) = vpow2.f32 @p2 v16;
	v52 =	vand.u32 $0x7FFFFFFF, v6  }
0x6f: {  	v35 =	vadd.f32 @p3 $2.000000000e+00, v12;
	v16 =	vsub.f32 $0.0e+00, v52  }
0x70: {  	v20 =	vadd.f32 @p5 $4.000000060e-01, v20  }
0x71: {  	v28 =	vadd.f32 @p6 $2.000000000e+00, v28;
	(erf) = vrcp.f32 @p3 v35;
	v16 =	vmul.f32 $1.442695020e+00, v16  }
0x72: {  	v20 =	vmul.f32 @p5 v20, v14  }
0x73: {  	v28 =	vmul.f32 @p6 v28, v30;
	(erf) = vpow2.f32 v16  }
0x74: {  	v20 =	vadd.f32 @p5 $6.666666860e-01, v20  }
0x75: {  	v27 =	vmax.f32 @p6 v27, $0.0e+00;
	v19 =	vpsel p5, v19, v0;
	v16 =	vpop @p4 (erf)  }
0x76: {  	v22 =	vpsel p4, v22, v4;
	v24 =	vpsel p5, v24, v0;
	v16 =	vmul.f32 @p4 v16, v25  }
0x77: {  	v11 =	vpsel p2, v11, v13;
	v27 =	vadd.f32 @p6 v28, v27;
	v28 =	vmov @p3 v31;
	v25 =	vpop @p2 (erf)  }
0x78: {  	v21 =	vld.idx.msk @p6 [tilespmem:v21+s11+$0x0], $0xffff;
	v14 =	vmul.f32 @p5 v20, v14;
	v20 =	vmovc @p2 v29;
	v29 =	vadd.f32 @p2 $2.000000000e+00, v25;
	v30 =	vmul.f32 @p4 v16, v16  }
0x79: {  	v26 =	vpsel p4, v26, v5;
	v57 =	vpsel p2, v11, v5;
	v7 =	vpsel p3, v28, v7  }
0x7a: {  	v14 =	vpsel p5, v14, v0;
	v28 =	vpop @p3 (erf);
	(erf) = vrcp.f32 @p2 v29;
	v18 =	vpsel p4, v30, v18  }
0x7b: {  	v10 =	vpsel p2, v20, v10;
	v20 =	vpsel p5, v23, v0;
	v23 =	vmul.f32 @p4 $2.857142980e-01, v18  }
0x7c: {  	v5 =	vpsel p2, v57, v0;
	v12 =	vpsel p3, v12, v17;
	v14 =	vadd.f32 @p5 $2.000000000e+00, v14;
	v53 =	vpop (erf)  }
0x7d: {  	v27 =	vmul.f32 @p6 v27, v21;
	v23 =	vadd.f32 @p4 $4.000000060e-01, v23;
	v54 =	vadd.f32 $2.000000000e+00, v53  }
0x7e: {  	v5 =	vpsel p2, v5, v0;
	v19 =	vld.idx.msk @p5 [tilespmem:v19+s11+$0x0], $0xffff;
	v21 =	vadd.f32 @p6 v21, v32;
	v13 =	vmul.f32 @p5 v14, v20  }
0x7f: {  	v27 =	vadd.f32 @p6 v27, v33;
	v17 =	vmul.f32 @p4 v23, v18;
	(erf) = vrcp.f32 v54  }
0x80: {  	v7 =	vpsel p3, v7, v0;
	v14 =	vmax.f32 @p5 v24, $0.0e+00;
	v12 =	vmul.f32 @p3 v28, v12  }
0x81: {  	v55 =	vpsel p2, v10, v4;
	v13 =	vadd.f32 @p5 v13, v14;
	v17 =	vadd.f32 @p4 $6.666666860e-01, v17  }
0x82: {  	v20 =	vmovc @p4 v22;
	v14 =	vpsel p6, v21, v2;
	v21 =	vmov @p2 v25;
	v22 =	vmul.f32 @p3 v12, v12  }
0x83: {  	v8 =	vpsel p2, v21, v8;
	v13 =	vmul.f32 @p5 v13, v19;
	v17 =	vmul.f32 @p4 v17, v18;
	v18 =	vpop @p2 (erf)  }
0x84: {  	v15 =	vpsel p4, v16, v15;
	v16 =	vpsel p6, v27, v2;
	v8 =	vmul.f32 @p2 v18, v8  }
0x85: {  	v14 =	vadd.f32 @p5 v19, v14;
	v13 =	vadd.f32 @p5 v13, v16;
	v16 =	vpsel p3, v22, v0  }
0x86: {  	v19 =	vpsel p4, v20, v0;
	v10 =	vmul.f32 @p3 $2.857142980e-01, v16;
	v20 =	vmul.f32 @p2 v8, v8  }
0x87: {  	v5 =	vmax.f32 @p2 v5, $0.0e+00;
	v7 =	vpsel p3, v7, v0  }
0x88: {  	v4 =	vpsel p2, v55, v0;
	v10 =	vadd.f32 @p3 $4.000000060e-01, v10;
	v20 =	vpsel p2, v20, v0;
	v56 =	vpop (erf)  }
0x89: {  	v4 =	vpsel p2, v4, v0;
	v11 =	vmul.f32 @p2 $2.857142980e-01, v20;
	v21 =	vmul.f32 v56, v53  }
0x8a: {  	v15 =	vpsel p4, v15, v0;
	v12 =	vpsel p3, v12, v0;
	v29 =	vmovc @p3 v34;
	v10 =	vmul.f32 @p3 v10, v16  }
0x8b: {  	v9 =	vpsel p3, v29, v9;
	v11 =	vadd.f32 @p2 $4.000000060e-01, v11;
	v58 =	vmul.f32 v21, v21  }
0x8c: {  	v12 =	vpsel p3, v12, v0;
	v9 =	vpsel p3, v9, v0;
	v10 =	vadd.f32 @p3 $6.666666860e-01, v10  }
0x8d: {  	v17 =	vpsel p4, v17, v0;
	v11 =	vmul.f32 @p2 v11, v20;
	v59 =	vmul.f32 $2.857142980e-01, v58  }
0x8e: {  	v9 =	vpsel p3, v9, v0;
	v18 =	vmovc @p4 v26;
	v17 =	vadd.f32 @p4 $2.000000000e+00, v17;
	v10 =	vmul.f32 @p3 v10, v16  }
0x8f: {  	v19 =	vld.idx.msk @p4 [tilespmem:v19+s11+$0x0], $0xffff;
	v18 =	vpsel p4, v18, v0;
	v11 =	vadd.f32 @p2 $6.666666860e-01, v11;
	v60 =	vadd.f32 $4.000000060e-01, v59  }
0x90: {  	v15 =	vmul.f32 @p4 v17, v15;
	v17 =	vmax.f32 @p4 v18, $0.0e+00;
	v10 =	vpsel p3, v10, v0  }
0x91: {  	v10 =	vadd.f32 @p3 $2.000000000e+00, v10;
	v11 =	vmul.f32 @p2 v11, v20;
	v16 =	vmul.f32 v60, v58  }
0x92: {  	v7 =	vld.idx.msk @p3 [tilespmem:v7+s11+$0x0], $0xffff;
	v13 =	vpsel p5, v13, v2;
	v9 =	vmax.f32 @p3 v9, $0.0e+00;
	v15 =	vadd.f32 @p4 v15, v17  }
0x93: {  	v10 =	vmul.f32 @p3 v10, v12;
	v11 =	vpsel p2, v11, v0;
	v61 =	vadd.f32 $6.666666860e-01, v16  }
0x94: {  	v8 =	vpsel p2, v8, v0;
	v15 =	vmul.f32 @p4 v15, v19;
	v11 =	vadd.f32 @p2 $2.000000000e+00, v11  }
0x95: {  	v4 =	vld.idx.msk @p2 [tilespmem:v4+s11+$0x0], $0xffff;
	v8 =	vpsel p2, v8, v0;
	v9 =	vadd.f32 @p3 v10, v9;
	v62 =	vmul.f32 v61, v58  }
0x96: {  	v14 =	vpsel p5, v14, v2;
	v12 =	vadd.f32 @p4 v15, v13;
	v8 =	vmul.f32 @p2 v11, v8  }
0x97: {  	v14 =	vadd.f32 @p4 v19, v14;
	v9 =	vmul.f32 @p3 v9, v7;
	v10 =	vadd.f32 $2.000000000e+00, v62  }
0x98: {  	v3 =	vld.idx.msk [tilespmem:v3+s11+$0x0], $0xffff;
	v11 =	vpsel p4, v12, v2;
	v5 =	vadd.f32 @p2 v8, v5  }
0x99: {  	v9 =	vadd.f32 @p3 v9, v11;
	v8 =	vpsel p4, v14, v2;
	v10 =	vmul.f32 v10, v21  }
0x9a: {  	v6 =	vmax.f32 v6, $0.0e+00;
	v7 =	vadd.f32 @p3 v7, v8;
	v5 =	vmul.f32 @p2 v5, v4  }
0x9b: {  	v8 =	vpsel p3, v9, v2;
	v6 =	vadd.f32 v10, v6  }
0x9c: {  	v7 =	vpsel p3, v7, v2;
	v5 =	vadd.f32 @p2 v5, v8  }
0x9d: {  	v4 =	vadd.f32 @p2 v4, v7;
	v6 =	vmul.f32 v6, v3  }
0x9e: {  	v5 =	vpsel p2, v5, v2  }
0x9f: {  	v2 =	vpsel p2, v4, v2;
	v63 =	vadd.f32 v6, v5  }
0xa0: {  	v2 =	vadd.f32 v3, v2  }
0xa1: {  	[tilespmem:$0x2580] =	vst v63  }
0xa2: {  	[tilespmem:$0x2590] =	vst v2  }
0xa3: {  	[spmem:s8] =	stream.linear.scatter [tilespmem:s13], [sflag:$0x1], $0x80, $0x38;
	[tilespmem:$0x2EA0] =	vst v63  }
0xa4: {  	_ =	swait.ge [sflag:s12], $0x80  }
0xa5: {  	[sflag:s12] =	ssyncset.done $0x0  }
0xa6: {  	[sflag:s12] =	ssyncadd.s32 $0xFFFFFF80  }
0xa7: {  	[bflag:$0x0] =	sbarrier.arrive $0xFFFF  }
0xa8: {  	s17 =	sld [smem:$0x7FD];
	_ =	sdelay $0x2  }
0xa9: {  	p0 =	seq.s32 s17, $0x1  }
.Ltmp9:
0xaa: {  	_ = 	snop;
	(pc) =	sbr.rel @p0 .LBB2_17-.Ltmp9, $1  }
0xab: {  	_ =	sdelay $0x3  }
0xac: {  	[tilespmem:s14], [sflag:$0x1] =	stream.linear.gather [spmem:s2], $0x800, $0x38;
	[tilespmem:$0x2EA0] =	vst v63  }
0xad: {  	_ =	swait.ge [sflag:s12], $0x800  }
0xae: {  	[sflag:s12] =	ssyncset.done $0x0  }
0xaf: {  	[sflag:s12] =	ssyncadd.s32 $0xFFFFF800  }
0xb0: {  	v2 =	vld [tilespmem:$0x2600]  }
0xb1: {  	v3 =	vld [tilespmem:$0x2610]  }
0xb2: {  	v4 =	vld [tilespmem:$0x2680]  }
0xb3: {  	v5 =	vld [tilespmem:$0x2690]  }
0xb4: {  	v6 =	vld [tilespmem:$0x2700]  }
0xb5: {  	v7 =	vld [tilespmem:$0x2710];
	v2 =	vadd.f32 $0.0e+00, v2  }
0xb6: {  	v8 =	vld [tilespmem:$0x2780];
	v3 =	vadd.f32 $0.0e+00, v3  }
0xb7: {  	v39 =	vld [tilespmem:$0x2790];
	v2 =	vadd.f32 v4, v2  }
0xb8: {  	v40 =	vld [tilespmem:$0x2800];
	v3 =	vadd.f32 v5, v3  }
0xb9: {  	v41 =	vld [tilespmem:$0x2810];
	v2 =	vadd.f32 v6, v2  }
0xba: {  	v42 =	vld [tilespmem:$0x2880];
	v3 =	vadd.f32 v7, v3  }
0xbb: {  	v43 =	vld [tilespmem:$0x2890];
	v2 =	vadd.f32 v8, v2  }
0xbc: {  	v44 =	vld [tilespmem:$0x2900];
	v3 =	vadd.f32 v39, v3  }
0xbd: {  	v45 =	vld [tilespmem:$0x2910];
	v2 =	vadd.f32 v40, v2  }
0xbe: {  	v46 =	vld [tilespmem:$0x2980];
	v3 =	vadd.f32 v41, v3  }
0xbf: {  	v47 =	vld [tilespmem:$0x2990];
	v2 =	vadd.f32 v42, v2  }
0xc0: {  	v48 =	vld [tilespmem:$0x2A00];
	v3 =	vadd.f32 v43, v3  }
0xc1: {  	v49 =	vld [tilespmem:$0x2A10];
	v2 =	vadd.f32 v44, v2  }
0xc2: {  	v50 =	vld [tilespmem:$0x2A80];
	v3 =	vadd.f32 v45, v3  }
0xc3: {  	v51 =	vld [tilespmem:$0x2A90];
	v2 =	vadd.f32 v46, v2  }
0xc4: {  	v52 =	vld [tilespmem:$0x2B00];
	v3 =	vadd.f32 v47, v3  }
0xc5: {  	v53 =	vld [tilespmem:$0x2B10];
	v2 =	vadd.f32 v48, v2  }
0xc6: {  	v54 =	vld [tilespmem:$0x2B80];
	v3 =	vadd.f32 v49, v3  }
0xc7: {  	v55 =	vld [tilespmem:$0x2B90];
	v2 =	vadd.f32 v50, v2  }
0xc8: {  	v56 =	vld [tilespmem:$0x2C00];
	v3 =	vadd.f32 v51, v3  }
0xc9: {  	v57 =	vld [tilespmem:$0x2C10];
	v2 =	vadd.f32 v52, v2  }
0xca: {  	v58 =	vld [tilespmem:$0x2C80];
	v3 =	vadd.f32 v53, v3  }
0xcb: {  	v59 =	vld [tilespmem:$0x2C90];
	v2 =	vadd.f32 v54, v2  }
0xcc: {  	v60 =	vld [tilespmem:$0x2D00];
	v3 =	vadd.f32 v55, v3  }
0xcd: {  	v61 =	vld [tilespmem:$0x2D10];
	v2 =	vadd.f32 v56, v2  }
0xce: {  	v62 =	vld [tilespmem:$0x2D80];
	v3 =	vadd.f32 v57, v3  }
0xcf: {  	v63 =	vld [tilespmem:$0x2D90];
	v2 =	vadd.f32 v58, v2  }
0xd0: {  	v3 =	vadd.f32 v59, v3  }
0xd1: {  	v2 =	vadd.f32 v60, v2  }
0xd2: {  	v3 =	vadd.f32 v61, v3  }
0xd3: {  	v2 =	vadd.f32 v62, v2  }
0xd4: {  	v3 =	vadd.f32 v63, v3  }
0xd5: {  	(xrf2) =	vadd.scan.msk.f32 $0xffff, v2  }
0xd6: {  	(xrf2) =	vadd.scan.msk.f32 $0xffff, v3;
	_ =	sdelay $0x8  }
0xd7: {  	v2, _, _ =	vpop (xrf2)  }
0xd8: {  	v3, _, _ =	vpop (xrf2)  }
0xd9: {  	v3 =	vbroadcast v3, $0xF  }
0xda: {  	v2 =	vbroadcast v2, $0xF  }
0xdb: {  	v3 =	vnsel vm0, $0x0, v3  }
0xdc: {  	v2 =	vsel vm1, v3, v2  }
.Ltmp10:
0xdd: {  	[tilespmem:$0x2E00] =	vst v2;
	(pc) =	sbr.rel .LBB2_17-.Ltmp10, $4  }
0xde: {  	[hbm4b:s9+s3] =	stream.linear.scatter [tilespmem:s15], [sflag:$0x1], $0x80, $0x38;
	[tilespmem:$0x2EA0] =	vst v63  }
0xdf: {  	_ =	swait.ge [sflag:s12], $0x80  }
0xe0: {  	[sflag:s12] =	ssyncset.done $0x0  }
0xe1: {  	[sflag:s12] =	ssyncadd.s32 $0xFFFFFF80  }
.LBB2_2:
.Ltmp11:
0xe2: {  	(pc) =	sbr.rel .LBB2_15-.Ltmp11, $2  }
0xe3: {  	_ =	sdelay $0x2  }
0xe4: {  	v3 =	vmov v4;
	v32 =	vimm.f32 $0.0e+00;
	v33 =	vimm.f32 $0.0e+00  }
.LBB2_4:
.Ltmp12:
0xe5: {  	(pc) =	sbr.rel .LBB2_15-.Ltmp12, $2  }
0xe6: {  	_ =	sdelay $0x2  }
0xe7: {  	v29 =	vmovc v4;
	v3 =	vmovc v7;
	v11 =	vmov v5;
	v32 =	vimm.f32 $0.0e+00;
	v33 =	vimm.f32 $0.0e+00  }
.LBB2_6:
.Ltmp13:
0xe8: {  	(pc) =	sbr.rel .LBB2_15-.Ltmp13, $3  }
0xe9: {  	_ =	sdelay $0x1  }
0xea: {  	v31 =	vmov v4;
	v29 =	vmov v7  }
0xeb: {  	v3 =	vmovc v10;
	v34 =	vmovc v5;
	v11 =	vmov v9;
	v32 =	vimm.f32 $0.0e+00;
	v33 =	vimm.f32 $0.0e+00  }
.LBB2_8:
.Ltmp14:
0xec: {  	(pc) =	sbr.rel .LBB2_15-.Ltmp14, $3  }
0xed: {  	_ =	sdelay $0x1  }
0xee: {  	v31 =	vmovc v7;
	v29 =	vmov v10;
	v34 =	vmov v9;
	v11 =	vmov v13  }
0xef: {  	v22 =	vmovc v4;
	v26 =	vmovc v5;
	v25 =	vmov v8;
	v32 =	vimm.f32 $0.0e+00;
	v33 =	vimm.f32 $0.0e+00  }
.LBB2_10:
.Ltmp15:
0xf0: {  	(pc) =	sbr.rel .LBB2_15-.Ltmp15, $4  }
0xf1: {  	_ = 	snop  }
0xf2: {  	v29 =	vmov v3;
	v19 =	vmov v4;
	v22 =	vmov v7  }
0xf3: {  	v31 =	vmovc v10;
	v3 =	vmovc v35;
	v24 =	vmov v5;
	v26 =	vmov v9;
	v34 =	vmov v13  }
0xf4: {  	v23 =	vmovc v15;
	v25 =	vmovc v17;
	v32 =	vimm.f32 $0.0e+00;
	v33 =	vimm.f32 $0.0e+00;
	v14 =	vmov v18  }
.LBB2_12:
.Ltmp16:
0xf5: {  	(pc) =	sbr.rel .LBB2_15-.Ltmp16, $4  }
0xf6: {  	_ = 	snop  }
0xf7: {  	v31 =	vmovc v3;
	v34 =	vmov v11;
	v21 =	vmov v4;
	v19 =	vmov v7  }
0xf8: {  	v22 =	vmovc v10;
	v29 =	vmovc v35;
	v3 =	vmov v36;
	v30 =	vmov v15;
	v27 =	vmov v5  }
0xf9: {  	v24 =	vmovc v9;
	v26 =	vmovc v13;
	v11 =	vmov v37;
	v32 =	vimm.f32 $0.0e+00;
	v33 =	vimm.f32 $0.0e+00  }
.LBB2_18:
0xfa: {  	_ =	sfence.sel $0x180000  }
0xfb: {  	[bflag:$0x0] =	sbarrier.arrive $0xFFFF  }
0xfc: {  	_ =	strace $0x90000047  }
0xfd: {  	[bflag:$0x2] =	sbarrier.arrive $0xFFFF  }
0xfe: {  	s0 =	sld [smem:$0x7FD];
	_ =	sdelay $0x2  }
0xff: {  	p0 =	seq.s32 s0, $0x1  }
0x100: {  	s0 =	sadd.s32 @!p0 $0x100000, s1  }
0x101: {  	[sflag:s0] =	ssyncadd.tile.s32 @!p0 $0x1;
	_ =	shalt  }
.Lfunc_end2:
_tile_overlayer_lowered:
.L_overlay_start_2:
0x102: {  	(tag) =	ssettag $0x2  }
0x103: {  	s0 =	rddreg [dreg:$0x0];
	s2 =	stileid.u32  }
0x104: {  	s1 =	rddreg [dreg:$0x1];
	p0 =	sne.s32 s2, $0x0  }
0x105: {  	s3 =	rddreg [dreg:$0x2];
	[bflag:$0x3] =	sbarrier.arrive $0xFFFF;
	s2 =	simm.s32 @!p0 $0x1C01  }
0x106: {  	[timem:s3], [sflag:s2] =	dma.local @!p0 [hbm:s0], s1  }
0x107: {  	s0 =	simm.s32 @!p0 $0x1  }
0x108: {  	_ =	swait.ge @!p0 [sflag:s0], s1  }
0x109: {  	s1 =	ssub.s32 @!p0 $0x0, s1;
	[sflag:s0] =	ssyncset.done @!p0 $0x0  }
0x10a: {  	[sflag:s0] =	ssyncadd.s32 @!p0 s1  }
0x10b: {  	[bflag:$0x3] =	sbarrier.arrive $0xFFFF  }
0x10c: {  	_ =	shalt  }

</sc_bundles>
